<compile_context>
chip_gen: v7x
topology: tpu7x:2x2x1
jax: 0.10.2.dev20260603
libtpu: 0.0.44.dev20260713+nightly
codegen_flags: <defaults>
</compile_context>

<pallas_src>
import functools

import jax
import jax.numpy as jnp
from jax import lax
from jax.experimental import pallas as pl
from jax.experimental.pallas import tpu as pltpu
from jax.experimental.pallas import tpu_sc as plsc

B, N = 1024, 200
M = B * N
ST_DIM = 16
EMBED_DIM = 128
TIME_HALF = 16

NC, NS = 2, 16
NW = NC * NS
NUM_IDX = 2 * M
PER_W = NUM_IDX // NW
K = 128
C = PER_W // K


def _sc_gather(packed, idx):
    mesh = plsc.VectorSubcoreMesh(core_axis_name="c", subcore_axis_name="s")

    @functools.partial(
        pl.kernel,
        mesh=mesh,
        out_type=jax.ShapeDtypeStruct((2, M, ST_DIM), jnp.float32),
        scratch_types=[
            pltpu.VMEM((PER_W,), jnp.int32),
            pltpu.VMEM((PER_W,), jnp.int32),
            pltpu.VMEM((K, 128), jnp.float32),
            pltpu.VMEM((K, 128), jnp.float32),
            pltpu.VMEM((K, ST_DIM), jnp.float32),
            pltpu.VMEM((K, ST_DIM), jnp.float32),
            pltpu.SemaphoreType.DMA,
            pltpu.SemaphoreType.DMA,
            pltpu.SemaphoreType.DMA,
            pltpu.SemaphoreType.DMA,
        ],
    )
    def body(packed_hbm, idx_hbm, out_hbm, g_v, col_v, buf0, buf1, ob0, ob1,
             gs0, gs1, ws0, ws1):
        wid = lax.axis_index("s") * NC + lax.axis_index("c")
        base = wid * PER_W
        is_ds = wid < NS
        row_base = jnp.where(is_ds, base, base - M)
        plane = jnp.where(is_ds, 0, 1)

        pltpu.sync_copy(idx_hbm.at[pl.ds(base, PER_W)], g_v)

        def shift_body(i, carry):
            v = jnp.maximum(g_v[pl.ds(i * 16, 16)] - 1, 0)
            g_v[pl.ds(i * 16, 16)] = lax.shift_right_logical(v, 3)
            col_v[pl.ds(i * 16, 16)] = lax.shift_left(jnp.bitwise_and(v, 7), 4)
            return carry
        lax.fori_loop(0, PER_W // 16, shift_body, 0)

        def extract(c, buf, ob):
            def ex_body(j, carry):
                colb16 = col_v[pl.ds(c * K + j * 16, 16)]
                for l in range(16):
                    k = j * 16 + l
                    ob[k, :] = buf[k, pl.ds(colb16[l], 16)]
                return carry
            lax.fori_loop(0, K // 16, ex_body, 0)

        def pair_body(p, carry):
            c0 = 2 * p
            c1 = 2 * p + 1
            h0 = pltpu.async_copy(
                packed_hbm.at[g_v.at[pl.ds(c0 * K, K)]], buf0, gs0)
            h1 = pltpu.async_copy(
                packed_hbm.at[g_v.at[pl.ds(c1 * K, K)]], buf1, gs1)
            h0.wait()
            extract(c0, buf0, ob0)
            w0 = pltpu.async_copy(
                ob0, out_hbm.at[plane, pl.ds(row_base + c0 * K, K)], ws0)
            h1.wait()
            extract(c1, buf1, ob1)
            w1 = pltpu.async_copy(
                ob1, out_hbm.at[plane, pl.ds(row_base + c1 * K, K)], ws1)
            w0.wait()
            w1.wait()
            return carry
        lax.fori_loop(0, C // 2, pair_body, 0)

    return body(packed, idx)


TILE = 2048

_S0, _S1, _S2, _S3 = (9.999999300592e-01, -1.666656395634e-01,
                      8.329318998160e-03, -1.926529256930e-04)
_C0, _C1, _C2, _C3, _C4 = (9.999999996314e-01, -4.999999797125e-01,
                           4.166649064372e-02, -1.388359798659e-03,
                           2.415659384261e-05)


def _tc_body(ds_ref, as_ref, ax_ref, frcat_ref, wds_ref, was_ref, w6_ref,
             wsin_ref, wcos_ref, bias_ref, ctr_ref, gm_ref, bt_ref, out_ref):
    f32 = jnp.float32
    ax = ax_ref[...].T
    mk = ax[:, 2:3]
    a6 = ax[:, 3:9]

    x = jnp.dot(ax[:, 0:2], frcat_ref[...],
                preferred_element_type=f32)
    x2 = x * x
    sinx = x * (_S0 + x2 * (_S1 + x2 * (_S2 + x2 * _S3)))
    cosx = _C0 + x2 * (_C1 + x2 * (_C2 + x2 * (_C3 + x2 * _C4)))

    e_ds = ds_ref[...].reshape(TILE, ST_DIM)
    e_as = as_ref[...].reshape(TILE, ST_DIM)
    h = jnp.dot(e_ds, wds_ref[...], preferred_element_type=f32)
    h += jnp.dot(e_as, was_ref[...], preferred_element_type=f32)
    h += jnp.dot(a6, w6_ref[...], preferred_element_type=f32)
    h += jnp.dot(sinx, wsin_ref[...], preferred_element_type=f32)
    h += jnp.dot(cosx, wcos_ref[...], preferred_element_type=f32)
    h += bias_ref[...]

    d = jnp.dot(h, ctr_ref[...], preferred_element_type=f32)
    var = jnp.mean(d * d, axis=1, keepdims=True)
    hn = d * lax.rsqrt(var + 1e-5)
    out_ref[...] = (hn * gm_ref[...] + bt_ref[...]) * mk


def _tc_fuse(gath3, aux, frcat, wds, was, w6, wsin, wcos, bias, ctr, gm, bt):
    grid = (M // TILE,)
    row = lambda i: (i, 0)
    full = lambda i: (0, 0)
    in_specs = [
        pl.BlockSpec((1, TILE, ST_DIM), lambda i: (0, i, 0)),
        pl.BlockSpec((1, TILE, ST_DIM), lambda i: (1, i, 0)),
        pl.BlockSpec((9, TILE), lambda i: (0, i)),
        pl.BlockSpec((2, 2 * TIME_HALF), full),
        pl.BlockSpec((ST_DIM, EMBED_DIM), full),
        pl.BlockSpec((ST_DIM, EMBED_DIM), full),
        pl.BlockSpec((6, EMBED_DIM), full),
        pl.BlockSpec((2 * TIME_HALF, EMBED_DIM), full),
        pl.BlockSpec((2 * TIME_HALF, EMBED_DIM), full),
        pl.BlockSpec((1, EMBED_DIM), full),
        pl.BlockSpec((EMBED_DIM, EMBED_DIM), full),
        pl.BlockSpec((1, EMBED_DIM), full),
        pl.BlockSpec((1, EMBED_DIM), full),
    ]
    return pl.pallas_call(
        _tc_body,
        grid=grid,
        in_specs=in_specs,
        out_specs=pl.BlockSpec((TILE, EMBED_DIM), row),
        out_shape=jax.ShapeDtypeStruct((M, EMBED_DIM), jnp.float32),
    )(gath3, gath3, aux, frcat, wds, was, w6, wsin, wcos, bias, ctr, gm, bt)


def kernel(service, direction, depart_station, arrive_station, depart_time,
           arrive_time, flags, pad_mask, station_table, W_service,
           W_direction, W_flags, b_flags, W_fuse, b_fuse, gamma, beta):
    f32 = jnp.float32
    idx = jnp.concatenate([
        depart_station.reshape(-1).astype(jnp.int32),
        arrive_station.reshape(-1).astype(jnp.int32),
    ])
    packed = station_table.reshape(100000 // 8, 128)
    gath = _sc_gather(packed, idx)

    aux = jnp.concatenate([
        depart_time.reshape(1, M),
        arrive_time.reshape(1, M),
        pad_mask.reshape(1, M).astype(f32),
        jnp.clip(service.astype(jnp.int32) - 1, 0, 1).astype(f32).reshape(1, M),
        jnp.clip(direction.astype(jnp.int32) - 1, 0, 1).astype(f32).reshape(1, M),
        flags.reshape(M, 4).T,
    ], axis=0)

    lane = jnp.arange(TIME_HALF, dtype=f32).reshape(1, TIME_HALF)
    fr = jnp.exp(lane * (-jnp.log(10000.0) / TIME_HALF))
    z16 = jnp.zeros_like(fr)
    frcat = jnp.concatenate([jnp.concatenate([fr, z16], axis=1),
                             jnp.concatenate([z16, fr], axis=1)])
    ctr = jnp.eye(EMBED_DIM, dtype=f32) - (1.0 / EMBED_DIM)
    wtail = W_fuse[72:76]
    sv2 = jnp.dot(W_service, W_fuse[0:4])
    dr2 = jnp.dot(W_direction, W_fuse[4:8])
    wfl2 = jnp.dot(W_flags, wtail)
    w6 = jnp.concatenate([sv2[1:2] - sv2[0:1], dr2[1:2] - dr2[0:1], wfl2])
    bias = (b_fuse.reshape(1, EMBED_DIM) + jnp.dot(b_flags.reshape(1, 4), wtail)
            + sv2[0:1] + dr2[0:1])
    wsin = jnp.concatenate([W_fuse[40:56], W_fuse[40:56]])
    wcos = jnp.concatenate([W_fuse[56:72], W_fuse[56:72]])

    out = _tc_fuse(gath, aux, frcat,
                   W_fuse[8:24], W_fuse[24:40], w6, wsin, wcos, bias, ctr,
                   gamma.reshape(1, EMBED_DIM),
                   beta.reshape(1, EMBED_DIM))
    return (out.reshape(B, N, EMBED_DIM), pad_mask)

# --- scband reference (transcript-rebuilt; emitter-appended) ---
"""Pipeline reference for scband-parcoencoder-88064009437350 (READ-ONLY COPY).

The authoritative reference and input builder live on the scoring server;
editing this copy changes nothing except your own understanding.
"""

import jax, jax.numpy as jnp
import numpy as np

B, N = 1024, 200
NUM_STATIONS = 100000
ST_DIM = 16
TIME_DIM = 32
EMBED_DIM = 128
FUSE_IN = 4 + 4 + ST_DIM + ST_DIM + TIME_DIM + 4  # 76


def time_emb(t):
    # sinusoidal time embedding: float [..] -> [.., TIME_DIM]
    half = TIME_DIM // 2
    freqs = jnp.exp(-jnp.log(10000.0) * jnp.arange(half, dtype=jnp.float32) / half)
    ang = t[..., None] * freqs
    return jnp.concatenate([jnp.sin(ang), jnp.cos(ang)], axis=-1)


def setup_inputs(seed: int = 0) -> dict:
    key = jax.random.key(seed)
    ks = [jax.random.fold_in(key, i) for i in range(20)]
    inp = {}
    inp['service'] = jax.random.randint(ks[0], (B, N), 0, 2).astype(jnp.int64)
    inp['direction'] = jax.random.randint(ks[1], (B, N), 0, 2).astype(jnp.int64)
    inp['depart_station'] = jax.random.randint(ks[2], (B, N), 0, NUM_STATIONS).astype(jnp.int64)
    inp['arrive_station'] = jax.random.randint(ks[3], (B, N), 0, NUM_STATIONS).astype(jnp.int64)
    inp['depart_time'] = jax.random.uniform(ks[4], (B, N), dtype=jnp.float32)
    inp['arrive_time'] = jax.random.uniform(ks[5], (B, N), dtype=jnp.float32)
    inp['flags'] = jax.random.uniform(ks[6], (B, N, 4), dtype=jnp.float32)
    inp['pad_mask'] = jax.random.randint(ks[7], (B, N), 0, 2).astype(jnp.bool_)
    # learned parameters
    inp['station_table'] = jax.random.normal(ks[8], (NUM_STATIONS, ST_DIM), dtype=jnp.float32) * 0.02
    inp['W_service'] = jax.random.normal(ks[9], (2, 4), dtype=jnp.float32) * 0.5
    inp['W_direction'] = jax.random.normal(ks[10], (2, 4), dtype=jnp.float32) * 0.5
    inp['W_flags'] = jax.random.normal(ks[11], (4, 4), dtype=jnp.float32) * 0.5
    inp['b_flags'] = jnp.zeros((4,), dtype=jnp.float32)
    inp['W_fuse'] = jax.random.normal(ks[12], (FUSE_IN, EMBED_DIM), dtype=jnp.float32) * 0.1
    inp['b_fuse'] = jnp.zeros((EMBED_DIM,), dtype=jnp.float32)
    inp['gamma'] = jnp.ones((EMBED_DIM,), dtype=jnp.float32)
    inp['beta'] = jnp.zeros((EMBED_DIM,), dtype=jnp.float32)
    return inp


def reference(service, direction, depart_station, arrive_station, depart_time,
              arrive_time, flags, pad_mask, station_table, W_service, W_direction,
              W_flags, b_flags, W_fuse, b_fuse, gamma, beta):
    valid = pad_mask.astype(jnp.float32)[..., None]
    service_shift = jnp.clip(service - 1, 0)
    direction_shift = jnp.clip(direction - 1, 0)
    ds_shift = jnp.clip(depart_station - 1, 0)
    as_shift = jnp.clip(arrive_station - 1, 0)
    e_service = jnp.take(W_service, service_shift, axis=0)
    e_direction = jnp.take(W_direction, direction_shift, axis=0)
    e_ds = jnp.take(station_table, ds_shift, axis=0)
    e_as = jnp.take(station_table, as_shift, axis=0)
    e_time = time_emb(depart_time) + time_emb(arrive_time)
    e_flags = flags @ W_flags + b_flags
    x = jnp.concatenate([e_service, e_direction, e_ds, e_as, e_time, e_flags], axis=-1)
    h = x @ W_fuse + b_fuse
    mu = jnp.mean(h, axis=-1, keepdims=True)
    var = jnp.mean((h - mu) ** 2, axis=-1, keepdims=True)
    hn = (h - mu) / jnp.sqrt(var + 1e-5) * gamma + beta
    task_emb = hn * valid
    return (task_emb, pad_mask)

if __name__ == "__main__":
    import jax
    _d = setup_inputs()
    print(jax.jit(kernel)(*tuple(_d.values())))

</pallas_src>

<mosaic_0001>
#map = affine_map<(d0, d1) -> (0, 0)>
#map1 = affine_map<(d0, d1) -> (0)>
#map2 = affine_map<(d0, d1) -> (0, 0, 0)>
module attributes {stable_mosaic.version = 14 : i64} {
  func.func @body(%arg0: i32, %arg1: i32, %arg2: memref<12500x128xf32, #tpu.memory_space<hbm>>, %arg3: memref<409600xi32, #tpu.memory_space<hbm>>, %arg4: memref<2x204800x16xf32, #tpu.memory_space<hbm>>, %arg5: memref<12800xi32, #tpu.memory_space<vmem>>, %arg6: memref<12800xi32, #tpu.memory_space<vmem>>, %arg7: memref<128x128xf32, #tpu.memory_space<vmem>>, %arg8: memref<128x128xf32, #tpu.memory_space<vmem>>, %arg9: memref<128x16xf32, #tpu.memory_space<vmem>>, %arg10: memref<128x16xf32, #tpu.memory_space<vmem>>, %arg11: memref<!tpu.dma_semaphore, #tpu.memory_space<semaphore_mem>>, %arg12: memref<!tpu.dma_semaphore, #tpu.memory_space<semaphore_mem>>, %arg13: memref<!tpu.dma_semaphore, #tpu.memory_space<semaphore_mem>>, %arg14: memref<!tpu.dma_semaphore, #tpu.memory_space<semaphore_mem>>) attributes {dimension_semantics = [#tpu.dimension_semantics<core_parallel>, #tpu.dimension_semantics<subcore_parallel>], iteration_bounds = array<i64: 2, 16>, scalar_prefetch = 0 : i64, scratch_operands = 10 : i64, tpu.core_type = #tpu.core_type<sc_vector_subcore>, window_params = [{transform_indices = #map}, {transform_indices = #map1}, {transform_indices = #map2}]} {
    %mul3A = arith.constant 2 : i32
    %mul3A_0 = arith.muli %arg1, %mul3A : i32
    %add3A = arith.addi %mul3A_0, %arg0 : i32
    %mul3A_1 = arith.constant 12800 : i32
    %mul3A_2 = arith.muli %add3A, %mul3A_1 : i32
    %lt3A = arith.constant 16 : i32
    %lt3A_3 = arith.cmpi slt, %add3A, %lt3A : i32
    %sub3A = arith.constant 204800 : i32
    %sub3A_4 = arith.subi %mul3A_2, %sub3A : i32
    %select_n3A = arith.select %lt3A_3, %mul3A_2, %sub3A_4 : i32
    %jit3A = arith.constant 0 : i32
    %jit3A_5 = arith.constant 1 : i32
    %select_n3A_6 = arith.select %lt3A_3, %jit3A, %jit3A_5 : i32
    "tpu.region"() ({
      %run_scoped3A = tpu.sem_alloc : memref<!tpu.dma_semaphore, #tpu.memory_space<semaphore_mem>>
      %dma_start3A = tpu.memref_slice %arg3[%mul3A_2] : memref<409600xi32, #tpu.memory_space<hbm>> -> memref<12800xi32, #tpu.memory_space<hbm>>
      %dma_start3A_18 = tpu.memref_slice %arg3[%mul3A_2] : memref<409600xi32, #tpu.memory_space<hbm>> -> memref<12800xi32, #tpu.memory_space<hbm>>
      tpu.enqueue_dma source(%dma_start3A_18 : memref<12800xi32, #tpu.memory_space<hbm>>) target(%arg5 : memref<12800xi32, #tpu.memory_space<vmem>>) target_semaphore(%run_scoped3A : memref<!tpu.dma_semaphore, #tpu.memory_space<semaphore_mem>>)
      %dma_wait3A = tpu.memref_slice %arg3[%mul3A_2] : memref<409600xi32, #tpu.memory_space<hbm>> -> memref<12800xi32, #tpu.memory_space<hbm>>
      %dma_wait3A_19 = tpu.memref_slice %arg3[%mul3A_2] : memref<409600xi32, #tpu.memory_space<hbm>> -> memref<12800xi32, #tpu.memory_space<hbm>>
      tpu.wait_dma2 semaphore(%run_scoped3A : memref<!tpu.dma_semaphore, #tpu.memory_space<semaphore_mem>>) src(%dma_wait3A_19 : memref<12800xi32, #tpu.memory_space<hbm>>) dst(%arg5 : memref<12800xi32, #tpu.memory_space<vmem>>)
      tpu.yield
    }) : () -> ()
    %scan3A = arith.constant 0 : i32
    %scan3A_7 = arith.constant 0 : i32
    %scan3A_8 = arith.constant 800 : i32
    %scan3A_9 = arith.addi %scan3A_7, %scan3A_8 : i32
    %scan3A_10 = arith.constant 1 : i32
    scf.for %scan3A_18 = %scan3A_7 to %scan3A_9 step %scan3A_10  : i32 {
      %mul3A_19 = arith.constant 16 : i32
      %mul3A_20 = arith.muli %scan3A_18, %mul3A_19 : i32
      %get3A = arith.index_cast %mul3A_20 : i32 to index
      %get3A_21 = tpu.vector_load %arg5[%get3A] {strides = array<i32>} : memref<12800xi32, #tpu.memory_space<vmem>>, vector<16xi32>,
      %get3A_22 = vector.shape_cast %get3A_21 : vector<16xi32> to vector<16xi32>
      %sub3A_23 = arith.constant 1 : i32
      %sub3A_24 = vector.broadcast %sub3A_23 : i32 to vector<16xi32>
      %sub3A_25 = arith.subi %get3A_22, %sub3A_24 : vector<16xi32>
      %max3A = arith.constant 0 : i32
      %max3A_26 = vector.broadcast %max3A : i32 to vector<16xi32>
      %max3A_27 = arith.maxsi %sub3A_25, %max3A_26 : vector<16xi32>
      %shift_right_logical3A = arith.constant 3 : i32
      %shift_right_logical3A_28 = vector.broadcast %shift_right_logical3A : i32 to vector<16xi32>
      %shift_right_logical3A_29 = arith.shrui %max3A_27, %shift_right_logical3A_28 : vector<16xi32>
      %mul3A_30 = arith.constant 16 : i32
      %mul3A_31 = arith.muli %scan3A_18, %mul3A_30 : i32
      %swap3A = arith.index_cast %mul3A_31 : i32 to index
      %swap3A_32 = tpu.vector_load %arg5[%swap3A] {strides = array<i32>} : memref<12800xi32, #tpu.memory_space<vmem>>, vector<16xi32>,
      %swap3A_33 = vector.shape_cast %swap3A_32 : vector<16xi32> to vector<16xi32>
      %swap3A_34 = vector.shape_cast %shift_right_logical3A_29 : vector<16xi32> to vector<16xi32>
      tpu.vector_store %arg5[%swap3A], %swap3A_34 {strides = array<i32>} : memref<12800xi32, #tpu.memory_space<vmem>>, vector<16xi32>,
      %and3A = arith.constant 7 : i32
      %and3A_35 = vector.broadcast %and3A : i32 to vector<16xi32>
      %and3A_36 = arith.andi %max3A_27, %and3A_35 : vector<16xi32>
      %shift_left3A = arith.constant 4 : i32
      %shift_left3A_37 = vector.broadcast %shift_left3A : i32 to vector<16xi32>
      %shift_left3A_38 = arith.shli %and3A_36, %shift_left3A_37 : vector<16xi32>
      %mul3A_39 = arith.constant 16 : i32
      %mul3A_40 = arith.muli %scan3A_18, %mul3A_39 : i32
      %swap3A_41 = arith.index_cast %mul3A_40 : i32 to index
      %swap3A_42 = tpu.vector_load %arg6[%swap3A_41] {strides = array<i32>} : memref<12800xi32, #tpu.memory_space<vmem>>, vector<16xi32>,
      %swap3A_43 = vector.shape_cast %swap3A_42 : vector<16xi32> to vector<16xi32>
      %swap3A_44 = vector.shape_cast %shift_left3A_38 : vector<16xi32> to vector<16xi32>
      tpu.vector_store %arg6[%swap3A_41], %swap3A_44 {strides = array<i32>} : memref<12800xi32, #tpu.memory_space<vmem>>, vector<16xi32>,
    }
    %scan3A_11 = arith.constant 800 : i32
    %scan3A_12 = arith.constant 0 : i32
    %scan3A_13 = arith.constant 0 : i32
    %scan3A_14 = arith.constant 50 : i32
    %scan3A_15 = arith.addi %scan3A_13, %scan3A_14 : i32
    %scan3A_16 = arith.constant 1 : i32
    scf.for %scan3A_18 = %scan3A_13 to %scan3A_15 step %scan3A_16  : i32 {
      %mul3A_19 = arith.constant 2 : i32
      %mul3A_20 = arith.muli %mul3A_19, %scan3A_18 : i32
      %mul3A_21 = arith.constant 2 : i32
      %mul3A_22 = arith.muli %mul3A_21, %scan3A_18 : i32
      %add3A_23 = arith.constant 1 : i32
      %add3A_24 = arith.addi %mul3A_22, %add3A_23 : i32
      %mul3A_25 = arith.constant 128 : i32
      %mul3A_26 = arith.muli %mul3A_20, %mul3A_25 : i32
      %dma_start3A = tpu.memref_slice %arg5[%mul3A_26] : memref<12800xi32, #tpu.memory_space<vmem>> -> memref<128xi32, #tpu.memory_space<vmem>>
      %dma_start3A_27 = arith.constant 0 : i32
      %dma_start3A_28 = arith.constant 0 : i32
      %dma_start3A_29 = tpu.memref_slice %arg2[%dma_start3A_27, %dma_start3A_28] : memref<12500x128xf32, #tpu.memory_space<hbm>> -> memref<12500x128xf32, #tpu.memory_space<hbm>>
      tpu.enqueue_indirect_dma source(%dma_start3A_29 : memref<12500x128xf32, #tpu.memory_space<hbm>>) target(%arg7 : memref<128x128xf32, #tpu.memory_space<vmem>>) offsets(%dma_start3A : memref<128xi32, #tpu.memory_space<vmem>>) semaphore(%arg11 : memref<!tpu.dma_semaphore, #tpu.memory_space<semaphore_mem>>)
      %mul3A_30 = arith.constant 128 : i32
      %mul3A_31 = arith.muli %add3A_24, %mul3A_30 : i32
      %dma_start3A_32 = tpu.memref_slice %arg5[%mul3A_31] : memref<12800xi32, #tpu.memory_space<vmem>> -> memref<128xi32, #tpu.memory_space<vmem>>
      %dma_start3A_33 = arith.constant 0 : i32
      %dma_start3A_34 = arith.constant 0 : i32
      %dma_start3A_35 = tpu.memref_slice %arg2[%dma_start3A_33, %dma_start3A_34] : memref<12500x128xf32, #tpu.memory_space<hbm>> -> memref<12500x128xf32, #tpu.memory_space<hbm>>
      tpu.enqueue_indirect_dma source(%dma_start3A_35 : memref<12500x128xf32, #tpu.memory_space<hbm>>) target(%arg8 : memref<128x128xf32, #tpu.memory_space<vmem>>) offsets(%dma_start3A_32 : memref<128xi32, #tpu.memory_space<vmem>>) semaphore(%arg12 : memref<!tpu.dma_semaphore, #tpu.memory_space<semaphore_mem>>)
      %dma_wait3A = tpu.memref_slice %arg5[%mul3A_26] : memref<12800xi32, #tpu.memory_space<vmem>> -> memref<128xi32, #tpu.memory_space<vmem>>
      %dma_wait3A_36 = arith.constant 0 : i32
      %dma_wait3A_37 = arith.constant 0 : i32
      %dma_wait3A_38 = tpu.memref_slice %arg2[%dma_wait3A_36, %dma_wait3A_37] : memref<12500x128xf32, #tpu.memory_space<hbm>> -> memref<12500x128xf32, #tpu.memory_space<hbm>>
      tpu.wait_indirect_dma semaphore(%arg11 : memref<!tpu.dma_semaphore, #tpu.memory_space<semaphore_mem>>) src(%dma_wait3A_38 : memref<12500x128xf32, #tpu.memory_space<hbm>>) dst(%arg7 : memref<128x128xf32, #tpu.memory_space<vmem>>)
      %scan3A_39 = arith.constant 0 : i32
      %scan3A_40 = arith.constant 0 : i32
      %scan3A_41 = arith.constant 8 : i32
      %scan3A_42 = arith.addi %scan3A_40, %scan3A_41 : i32
      %scan3A_43 = arith.constant 1 : i32
      scf.for %scan3A_85 = %scan3A_40 to %scan3A_42 step %scan3A_43  : i32 {
        %mul3A_86 = arith.constant 128 : i32
        %mul3A_87 = arith.muli %mul3A_20, %mul3A_86 : i32
        %mul3A_88 = arith.constant 16 : i32
        %mul3A_89 = arith.muli %scan3A_85, %mul3A_88 : i32
        %add3A_90 = arith.addi %mul3A_87, %mul3A_89 : i32
        %get3A = arith.index_cast %add3A_90 : i32 to index
        %get3A_91 = tpu.vector_load %arg6[%get3A] {strides = array<i32>} : memref<12800xi32, #tpu.memory_space<vmem>>, vector<16xi32>,
        %get3A_92 = vector.shape_cast %get3A_91 : vector<16xi32> to vector<16xi32>
        %mul3A_93 = arith.constant 16 : i32
        %mul3A_94 = arith.muli %scan3A_85, %mul3A_93 : i32
        %add3A_95 = arith.constant 0 : i32
        %add3A_96 = arith.addi %mul3A_94, %add3A_95 : i32
        %slice3A = vector.extract_strided_slice %get3A_92 {offsets = [0], sizes = [1], strides = [1]} : vector<16xi32> to vector<1xi32>
        %squeeze3A = vector.extract %slice3A[0] : i32 from vector<1xi32>
        %get3A_97 = arith.index_cast %add3A_96 : i32 to index
        %get3A_98 = arith.index_cast %squeeze3A : i32 to index
        %get3A_99 = tpu.vector_load %arg7[%get3A_97, %get3A_98] {strides = array<i32>} : memref<128x128xf32, #tpu.memory_space<vmem>>, vector<1x16xf32>,
        %get3A_100 = vector.shape_cast %get3A_99 : vector<1x16xf32> to vector<16xf32>
        %swap3A = arith.index_cast %add3A_96 : i32 to index
        %swap3A_101 = arith.constant 0 : index
        %swap3A_102 = tpu.vector_load %arg9[%swap3A, %swap3A_101] {strides = array<i32>} : memref<128x16xf32, #tpu.memory_space<vmem>>, vector<1x16xf32>,
        %swap3A_103 = vector.shape_cast %swap3A_102 : vector<1x16xf32> to vector<16xf32>
        %swap3A_104 = vector.shape_cast %get3A_100 : vector<16xf32> to vector<1x16xf32>
        tpu.vector_store %arg9[%swap3A, %swap3A_101], %swap3A_104 {strides = array<i32>} : memref<128x16xf32, #tpu.memory_space<vmem>>, vector<1x16xf32>,
        %mul3A_105 = arith.constant 16 : i32
        %mul3A_106 = arith.muli %scan3A_85, %mul3A_105 : i32
        %add3A_107 = arith.constant 1 : i32
        %add3A_108 = arith.addi %mul3A_106, %add3A_107 : i32
        %slice3A_109 = vector.extract_strided_slice %get3A_92 {offsets = [1], sizes = [1], strides = [1]} : vector<16xi32> to vector<1xi32>
        %squeeze3A_110 = vector.extract %slice3A_109[0] : i32 from vector<1xi32>
        %get3A_111 = arith.index_cast %add3A_108 : i32 to index
        %get3A_112 = arith.index_cast %squeeze3A_110 : i32 to index
        %get3A_113 = tpu.vector_load %arg7[%get3A_111, %get3A_112] {strides = array<i32>} : memref<128x128xf32, #tpu.memory_space<vmem>>, vector<1x16xf32>,
        %get3A_114 = vector.shape_cast %get3A_113 : vector<1x16xf32> to vector<16xf32>
        %swap3A_115 = arith.index_cast %add3A_108 : i32 to index
        %swap3A_116 = arith.constant 0 : index
        %swap3A_117 = tpu.vector_load %arg9[%swap3A_115, %swap3A_116] {strides = array<i32>} : memref<128x16xf32, #tpu.memory_space<vmem>>, vector<1x16xf32>,
        %swap3A_118 = vector.shape_cast %swap3A_117 : vector<1x16xf32> to vector<16xf32>
        %swap3A_119 = vector.shape_cast %get3A_114 : vector<16xf32> to vector<1x16xf32>
        tpu.vector_store %arg9[%swap3A_115, %swap3A_116], %swap3A_119 {strides = array<i32>} : memref<128x16xf32, #tpu.memory_space<vmem>>, vector<1x16xf32>,
        %mul3A_120 = arith.constant 16 : i32
        %mul3A_121 = arith.muli %scan3A_85, %mul3A_120 : i32
        %add3A_122 = arith.constant 2 : i32
        %add3A_123 = arith.addi %mul3A_121, %add3A_122 : i32
        %slice3A_124 = vector.extract_strided_slice %get3A_92 {offsets = [2], sizes = [1], strides = [1]} : vector<16xi32> to vector<1xi32>
        %squeeze3A_125 = vector.extract %slice3A_124[0] : i32 from vector<1xi32>
        %get3A_126 = arith.index_cast %add3A_123 : i32 to index
        %get3A_127 = arith.index_cast %squeeze3A_125 : i32 to index
        %get3A_128 = tpu.vector_load %arg7[%get3A_126, %get3A_127] {strides = array<i32>} : memref<128x128xf32, #tpu.memory_space<vmem>>, vector<1x16xf32>,
        %get3A_129 = vector.shape_cast %get3A_128 : vector<1x16xf32> to vector<16xf32>
        %swap3A_130 = arith.index_cast %add3A_123 : i32 to index
        %swap3A_131 = arith.constant 0 : index
        %swap3A_132 = tpu.vector_load %arg9[%swap3A_130, %swap3A_131] {strides = array<i32>} : memref<128x16xf32, #tpu.memory_space<vmem>>, vector<1x16xf32>,
        %swap3A_133 = vector.shape_cast %swap3A_132 : vector<1x16xf32> to vector<16xf32>
        %swap3A_134 = vector.shape_cast %get3A_129 : vector<16xf32> to vector<1x16xf32>
        tpu.vector_store %arg9[%swap3A_130, %swap3A_131], %swap3A_134 {strides = array<i32>} : memref<128x16xf32, #tpu.memory_space<vmem>>, vector<1x16xf32>,
        %mul3A_135 = arith.constant 16 : i32
        %mul3A_136 = arith.muli %scan3A_85, %mul3A_135 : i32
        %add3A_137 = arith.constant 3 : i32
        %add3A_138 = arith.addi %mul3A_136, %add3A_137 : i32
        %slice3A_139 = vector.extract_strided_slice %get3A_92 {offsets = [3], sizes = [1], strides = [1]} : vector<16xi32> to vector<1xi32>
        %squeeze3A_140 = vector.extract %slice3A_139[0] : i32 from vector<1xi32>
        %get3A_141 = arith.index_cast %add3A_138 : i32 to index
        %get3A_142 = arith.index_cast %squeeze3A_140 : i32 to index
        %get3A_143 = tpu.vector_load %arg7[%get3A_141, %get3A_142] {strides = array<i32>} : memref<128x128xf32, #tpu.memory_space<vmem>>, vector<1x16xf32>,
        %get3A_144 = vector.shape_cast %get3A_143 : vector<1x16xf32> to vector<16xf32>
        %swap3A_145 = arith.index_cast %add3A_138 : i32 to index
        %swap3A_146 = arith.constant 0 : index
        %swap3A_147 = tpu.vector_load %arg9[%swap3A_145, %swap3A_146] {strides = array<i32>} : memref<128x16xf32, #tpu.memory_space<vmem>>, vector<1x16xf32>,
        %swap3A_148 = vector.shape_cast %swap3A_147 : vector<1x16xf32> to vector<16xf32>
        %swap3A_149 = vector.shape_cast %get3A_144 : vector<16xf32> to vector<1x16xf32>
        tpu.vector_store %arg9[%swap3A_145, %swap3A_146], %swap3A_149 {strides = array<i32>} : memref<128x16xf32, #tpu.memory_space<vmem>>, vector<1x16xf32>,
        %mul3A_150 = arith.constant 16 : i32
        %mul3A_151 = arith.muli %scan3A_85, %mul3A_150 : i32
        %add3A_152 = arith.constant 4 : i32
        %add3A_153 = arith.addi %mul3A_151, %add3A_152 : i32
        %slice3A_154 = vector.extract_strided_slice %get3A_92 {offsets = [4], sizes = [1], strides = [1]} : vector<16xi32> to vector<1xi32>
        %squeeze3A_155 = vector.extract %slice3A_154[0] : i32 from vector<1xi32>
        %get3A_156 = arith.index_cast %add3A_153 : i32 to index
        %get3A_157 = arith.index_cast %squeeze3A_155 : i32 to index
        %get3A_158 = tpu.vector_load %arg7[%get3A_156, %get3A_157] {strides = array<i32>} : memref<128x128xf32, #tpu.memory_space<vmem>>, vector<1x16xf32>,
        %get3A_159 = vector.shape_cast %get3A_158 : vector<1x16xf32> to vector<16xf32>
        %swap3A_160 = arith.index_cast %add3A_153 : i32 to index
        %swap3A_161 = arith.constant 0 : index
        %swap3A_162 = tpu.vector_load %arg9[%swap3A_160, %swap3A_161] {strides = array<i32>} : memref<128x16xf32, #tpu.memory_space<vmem>>, vector<1x16xf32>,
        %swap3A_163 = vector.shape_cast %swap3A_162 : vector<1x16xf32> to vector<16xf32>
        %swap3A_164 = vector.shape_cast %get3A_159 : vector<16xf32> to vector<1x16xf32>
        tpu.vector_store %arg9[%swap3A_160, %swap3A_161], %swap3A_164 {strides = array<i32>} : memref<128x16xf32, #tpu.memory_space<vmem>>, vector<1x16xf32>,
        %mul3A_165 = arith.constant 16 : i32
        %mul3A_166 = arith.muli %scan3A_85, %mul3A_165 : i32
        %add3A_167 = arith.constant 5 : i32
        %add3A_168 = arith.addi %mul3A_166, %add3A_167 : i32
        %slice3A_169 = vector.extract_strided_slice %get3A_92 {offsets = [5], sizes = [1], strides = [1]} : vector<16xi32> to vector<1xi32>
        %squeeze3A_170 = vector.extract %slice3A_169[0] : i32 from vector<1xi32>
        %get3A_171 = arith.index_cast %add3A_168 : i32 to index
        %get3A_172 = arith.index_cast %squeeze3A_170 : i32 to index
        %get3A_173 = tpu.vector_load %arg7[%get3A_171, %get3A_172] {strides = array<i32>} : memref<128x128xf32, #tpu.memory_space<vmem>>, vector<1x16xf32>,
        %get3A_174 = vector.shape_cast %get3A_173 : vector<1x16xf32> to vector<16xf32>
        %swap3A_175 = arith.index_cast %add3A_168 : i32 to index
        %swap3A_176 = arith.constant 0 : index
        %swap3A_177 = tpu.vector_load %arg9[%swap3A_175, %swap3A_176] {strides = array<i32>} : memref<128x16xf32, #tpu.memory_space<vmem>>, vector<1x16xf32>,
        %swap3A_178 = vector.shape_cast %swap3A_177 : vector<1x16xf32> to vector<16xf32>
        %swap3A_179 = vector.shape_cast %get3A_174 : vector<16xf32> to vector<1x16xf32>
        tpu.vector_store %arg9[%swap3A_175, %swap3A_176], %swap3A_179 {strides = array<i32>} : memref<128x16xf32, #tpu.memory_space<vmem>>, vector<1x16xf32>,
        %mul3A_180 = arith.constant 16 : i32
        %mul3A_181 = arith.muli %scan3A_85, %mul3A_180 : i32
        %add3A_182 = arith.constant 6 : i32
        %add3A_183 = arith.addi %mul3A_181, %add3A_182 : i32
        %slice3A_184 = vector.extract_strided_slice %get3A_92 {offsets = [6], sizes = [1], strides = [1]} : vector<16xi32> to vector<1xi32>
        %squeeze3A_185 = vector.extract %slice3A_184[0] : i32 from vector<1xi32>
        %get3A_186 = arith.index_cast %add3A_183 : i32 to index
        %get3A_187 = arith.index_cast %squeeze3A_185 : i32 to index
        %get3A_188 = tpu.vector_load %arg7[%get3A_186, %get3A_187] {strides = array<i32>} : memref<128x128xf32, #tpu.memory_space<vmem>>, vector<1x16xf32>,
        %get3A_189 = vector.shape_cast %get3A_188 : vector<1x16xf32> to vector<16xf32>
        %swap3A_190 = arith.index_cast %add3A_183 : i32 to index
        %swap3A_191 = arith.constant 0 : index
        %swap3A_192 = tpu.vector_load %arg9[%swap3A_190, %swap3A_191] {strides = array<i32>} : memref<128x16xf32, #tpu.memory_space<vmem>>, vector<1x16xf32>,
        %swap3A_193 = vector.shape_cast %swap3A_192 : vector<1x16xf32> to vector<16xf32>
        %swap3A_194 = vector.shape_cast %get3A_189 : vector<16xf32> to vector<1x16xf32>
        tpu.vector_store %arg9[%swap3A_190, %swap3A_191], %swap3A_194 {strides = array<i32>} : memref<128x16xf32, #tpu.memory_space<vmem>>, vector<1x16xf32>,
        %mul3A_195 = arith.constant 16 : i32
        %mul3A_196 = arith.muli %scan3A_85, %mul3A_195 : i32
        %add3A_197 = arith.constant 7 : i32
        %add3A_198 = arith.addi %mul3A_196, %add3A_197 : i32
        %slice3A_199 = vector.extract_strided_slice %get3A_92 {offsets = [7], sizes = [1], strides = [1]} : vector<16xi32> to vector<1xi32>
        %squeeze3A_200 = vector.extract %slice3A_199[0] : i32 from vector<1xi32>
        %get3A_201 = arith.index_cast %add3A_198 : i32 to index
        %get3A_202 = arith.index_cast %squeeze3A_200 : i32 to index
        %get3A_203 = tpu.vector_load %arg7[%get3A_201, %get3A_202] {strides = array<i32>} : memref<128x128xf32, #tpu.memory_space<vmem>>, vector<1x16xf32>,
        %get3A_204 = vector.shape_cast %get3A_203 : vector<1x16xf32> to vector<16xf32>
        %swap3A_205 = arith.index_cast %add3A_198 : i32 to index
        %swap3A_206 = arith.constant 0 : index
        %swap3A_207 = tpu.vector_load %arg9[%swap3A_205, %swap3A_206] {strides = array<i32>} : memref<128x16xf32, #tpu.memory_space<vmem>>, vector<1x16xf32>,
        %swap3A_208 = vector.shape_cast %swap3A_207 : vector<1x16xf32> to vector<16xf32>
        %swap3A_209 = vector.shape_cast %get3A_204 : vector<16xf32> to vector<1x16xf32>
        tpu.vector_store %arg9[%swap3A_205, %swap3A_206], %swap3A_209 {strides = array<i32>} : memref<128x16xf32, #tpu.memory_space<vmem>>, vector<1x16xf32>,
        %mul3A_210 = arith.constant 16 : i32
        %mul3A_211 = arith.muli %scan3A_85, %mul3A_210 : i32
        %add3A_212 = arith.constant 8 : i32
        %add3A_213 = arith.addi %mul3A_211, %add3A_212 : i32
        %slice3A_214 = vector.extract_strided_slice %get3A_92 {offsets = [8], sizes = [1], strides = [1]} : vector<16xi32> to vector<1xi32>
        %squeeze3A_215 = vector.extract %slice3A_214[0] : i32 from vector<1xi32>
        %get3A_216 = arith.index_cast %add3A_213 : i32 to index
        %get3A_217 = arith.index_cast %squeeze3A_215 : i32 to index
        %get3A_218 = tpu.vector_load %arg7[%get3A_216, %get3A_217] {strides = array<i32>} : memref<128x128xf32, #tpu.memory_space<vmem>>, vector<1x16xf32>,
        %get3A_219 = vector.shape_cast %get3A_218 : vector<1x16xf32> to vector<16xf32>
        %swap3A_220 = arith.index_cast %add3A_213 : i32 to index
        %swap3A_221 = arith.constant 0 : index
        %swap3A_222 = tpu.vector_load %arg9[%swap3A_220, %swap3A_221] {strides = array<i32>} : memref<128x16xf32, #tpu.memory_space<vmem>>, vector<1x16xf32>,
        %swap3A_223 = vector.shape_cast %swap3A_222 : vector<1x16xf32> to vector<16xf32>
        %swap3A_224 = vector.shape_cast %get3A_219 : vector<16xf32> to vector<1x16xf32>
        tpu.vector_store %arg9[%swap3A_220, %swap3A_221], %swap3A_224 {strides = array<i32>} : memref<128x16xf32, #tpu.memory_space<vmem>>, vector<1x16xf32>,
        %mul3A_225 = arith.constant 16 : i32
        %mul3A_226 = arith.muli %scan3A_85, %mul3A_225 : i32
        %add3A_227 = arith.constant 9 : i32
        %add3A_228 = arith.addi %mul3A_226, %add3A_227 : i32
        %slice3A_229 = vector.extract_strided_slice %get3A_92 {offsets = [9], sizes = [1], strides = [1]} : vector<16xi32> to vector<1xi32>
        %squeeze3A_230 = vector.extract %slice3A_229[0] : i32 from vector<1xi32>
        %get3A_231 = arith.index_cast %add3A_228 : i32 to index
        %get3A_232 = arith.index_cast %squeeze3A_230 : i32 to index
        %get3A_233 = tpu.vector_load %arg7[%get3A_231, %get3A_232] {strides = array<i32>} : memref<128x128xf32, #tpu.memory_space<vmem>>, vector<1x16xf32>,
        %get3A_234 = vector.shape_cast %get3A_233 : vector<1x16xf32> to vector<16xf32>
        %swap3A_235 = arith.index_cast %add3A_228 : i32 to index
        %swap3A_236 = arith.constant 0 : index
        %swap3A_237 = tpu.vector_load %arg9[%swap3A_235, %swap3A_236] {strides = array<i32>} : memref<128x16xf32, #tpu.memory_space<vmem>>, vector<1x16xf32>,
        %swap3A_238 = vector.shape_cast %swap3A_237 : vector<1x16xf32> to vector<16xf32>
        %swap3A_239 = vector.shape_cast %get3A_234 : vector<16xf32> to vector<1x16xf32>
        tpu.vector_store %arg9[%swap3A_235, %swap3A_236], %swap3A_239 {strides = array<i32>} : memref<128x16xf32, #tpu.memory_space<vmem>>, vector<1x16xf32>,
        %mul3A_240 = arith.constant 16 : i32
        %mul3A_241 = arith.muli %scan3A_85, %mul3A_240 : i32
        %add3A_242 = arith.constant 10 : i32
        %add3A_243 = arith.addi %mul3A_241, %add3A_242 : i32
        %slice3A_244 = vector.extract_strided_slice %get3A_92 {offsets = [10], sizes = [1], strides = [1]} : vector<16xi32> to vector<1xi32>
        %squeeze3A_245 = vector.extract %slice3A_244[0] : i32 from vector<1xi32>
        %get3A_246 = arith.index_cast %add3A_243 : i32 to index
        %get3A_247 = arith.index_cast %squeeze3A_245 : i32 to index
        %get3A_248 = tpu.vector_load %arg7[%get3A_246, %get3A_247] {strides = array<i32>} : memref<128x128xf32, #tpu.memory_space<vmem>>, vector<1x16xf32>,
        %get3A_249 = vector.shape_cast %get3A_248 : vector<1x16xf32> to vector<16xf32>
        %swap3A_250 = arith.index_cast %add3A_243 : i32 to index
        %swap3A_251 = arith.constant 0 : index
        %swap3A_252 = tpu.vector_load %arg9[%swap3A_250, %swap3A_251] {strides = array<i32>} : memref<128x16xf32, #tpu.memory_space<vmem>>, vector<1x16xf32>,
        %swap3A_253 = vector.shape_cast %swap3A_252 : vector<1x16xf32> to vector<16xf32>
        %swap3A_254 = vector.shape_cast %get3A_249 : vector<16xf32> to vector<1x16xf32>
        tpu.vector_store %arg9[%swap3A_250, %swap3A_251], %swap3A_254 {strides = array<i32>} : memref<128x16xf32, #tpu.memory_space<vmem>>, vector<1x16xf32>,
        %mul3A_255 = arith.constant 16 : i32
        %mul3A_256 = arith.muli %scan3A_85, %mul3A_255 : i32
        %add3A_257 = arith.constant 11 : i32
        %add3A_258 = arith.addi %mul3A_256, %add3A_257 : i32
        %slice3A_259 = vector.extract_strided_slice %get3A_92 {offsets = [11], sizes = [1], strides = [1]} : vector<16xi32> to vector<1xi32>
        %squeeze3A_260 = vector.extract %slice3A_259[0] : i32 from vector<1xi32>
        %get3A_261 = arith.index_cast %add3A_258 : i32 to index
        %get3A_262 = arith.index_cast %squeeze3A_260 : i32 to index
        %get3A_263 = tpu.vector_load %arg7[%get3A_261, %get3A_262] {strides = array<i32>} : memref<128x128xf32, #tpu.memory_space<vmem>>, vector<1x16xf32>,
        %get3A_264 = vector.shape_cast %get3A_263 : vector<1x16xf32> to vector<16xf32>
        %swap3A_265 = arith.index_cast %add3A_258 : i32 to index
        %swap3A_266 = arith.constant 0 : index
        %swap3A_267 = tpu.vector_load %arg9[%swap3A_265, %swap3A_266] {strides = array<i32>} : memref<128x16xf32, #tpu.memory_space<vmem>>, vector<1x16xf32>,
        %swap3A_268 = vector.shape_cast %swap3A_267 : vector<1x16xf32> to vector<16xf32>
        %swap3A_269 = vector.shape_cast %get3A_264 : vector<16xf32> to vector<1x16xf32>
        tpu.vector_store %arg9[%swap3A_265, %swap3A_266], %swap3A_269 {strides = array<i32>} : memref<128x16xf32, #tpu.memory_space<vmem>>, vector<1x16xf32>,
        %mul3A_270 = arith.constant 16 : i32
        %mul3A_271 = arith.muli %scan3A_85, %mul3A_270 : i32
        %add3A_272 = arith.constant 12 : i32
        %add3A_273 = arith.addi %mul3A_271, %add3A_272 : i32
        %slice3A_274 = vector.extract_strided_slice %get3A_92 {offsets = [12], sizes = [1], strides = [1]} : vector<16xi32> to vector<1xi32>
        %squeeze3A_275 = vector.extract %slice3A_274[0] : i32 from vector<1xi32>
        %get3A_276 = arith.index_cast %add3A_273 : i32 to index
        %get3A_277 = arith.index_cast %squeeze3A_275 : i32 to index
        %get3A_278 = tpu.vector_load %arg7[%get3A_276, %get3A_277] {strides = array<i32>} : memref<128x128xf32, #tpu.memory_space<vmem>>, vector<1x16xf32>,
        %get3A_279 = vector.shape_cast %get3A_278 : vector<1x16xf32> to vector<16xf32>
        %swap3A_280 = arith.index_cast %add3A_273 : i32 to index
        %swap3A_281 = arith.constant 0 : index
        %swap3A_282 = tpu.vector_load %arg9[%swap3A_280, %swap3A_281] {strides = array<i32>} : memref<128x16xf32, #tpu.memory_space<vmem>>, vector<1x16xf32>,
        %swap3A_283 = vector.shape_cast %swap3A_282 : vector<1x16xf32> to vector<16xf32>
        %swap3A_284 = vector.shape_cast %get3A_279 : vector<16xf32> to vector<1x16xf32>
        tpu.vector_store %arg9[%swap3A_280, %swap3A_281], %swap3A_284 {strides = array<i32>} : memref<128x16xf32, #tpu.memory_space<vmem>>, vector<1x16xf32>,
        %mul3A_285 = arith.constant 16 : i32
        %mul3A_286 = arith.muli %scan3A_85, %mul3A_285 : i32
        %add3A_287 = arith.constant 13 : i32
        %add3A_288 = arith.addi %mul3A_286, %add3A_287 : i32
        %slice3A_289 = vector.extract_strided_slice %get3A_92 {offsets = [13], sizes = [1], strides = [1]} : vector<16xi32> to vector<1xi32>
        %squeeze3A_290 = vector.extract %slice3A_289[0] : i32 from vector<1xi32>
        %get3A_291 = arith.index_cast %add3A_288 : i32 to index
        %get3A_292 = arith.index_cast %squeeze3A_290 : i32 to index
        %get3A_293 = tpu.vector_load %arg7[%get3A_291, %get3A_292] {strides = array<i32>} : memref<128x128xf32, #tpu.memory_space<vmem>>, vector<1x16xf32>,
        %get3A_294 = vector.shape_cast %get3A_293 : vector<1x16xf32> to vector<16xf32>
        %swap3A_295 = arith.index_cast %add3A_288 : i32 to index
        %swap3A_296 = arith.constant 0 : index
        %swap3A_297 = tpu.vector_load %arg9[%swap3A_295, %swap3A_296] {strides = array<i32>} : memref<128x16xf32, #tpu.memory_space<vmem>>, vector<1x16xf32>,
        %swap3A_298 = vector.shape_cast %swap3A_297 : vector<1x16xf32> to vector<16xf32>
        %swap3A_299 = vector.shape_cast %get3A_294 : vector<16xf32> to vector<1x16xf32>
        tpu.vector_store %arg9[%swap3A_295, %swap3A_296], %swap3A_299 {strides = array<i32>} : memref<128x16xf32, #tpu.memory_space<vmem>>, vector<1x16xf32>,
        %mul3A_300 = arith.constant 16 : i32
        %mul3A_301 = arith.muli %scan3A_85, %mul3A_300 : i32
        %add3A_302 = arith.constant 14 : i32
        %add3A_303 = arith.addi %mul3A_301, %add3A_302 : i32
        %slice3A_304 = vector.extract_strided_slice %get3A_92 {offsets = [14], sizes = [1], strides = [1]} : vector<16xi32> to vector<1xi32>
        %squeeze3A_305 = vector.extract %slice3A_304[0] : i32 from vector<1xi32>
        %get3A_306 = arith.index_cast %add3A_303 : i32 to index
        %get3A_307 = arith.index_cast %squeeze3A_305 : i32 to index
        %get3A_308 = tpu.vector_load %arg7[%get3A_306, %get3A_307] {strides = array<i32>} : memref<128x128xf32, #tpu.memory_space<vmem>>, vector<1x16xf32>,
        %get3A_309 = vector.shape_cast %get3A_308 : vector<1x16xf32> to vector<16xf32>
        %swap3A_310 = arith.index_cast %add3A_303 : i32 to index
        %swap3A_311 = arith.constant 0 : index
        %swap3A_312 = tpu.vector_load %arg9[%swap3A_310, %swap3A_311] {strides = array<i32>} : memref<128x16xf32, #tpu.memory_space<vmem>>, vector<1x16xf32>,
        %swap3A_313 = vector.shape_cast %swap3A_312 : vector<1x16xf32> to vector<16xf32>
        %swap3A_314 = vector.shape_cast %get3A_309 : vector<16xf32> to vector<1x16xf32>
        tpu.vector_store %arg9[%swap3A_310, %swap3A_311], %swap3A_314 {strides = array<i32>} : memref<128x16xf32, #tpu.memory_space<vmem>>, vector<1x16xf32>,
        %mul3A_315 = arith.constant 16 : i32
        %mul3A_316 = arith.muli %scan3A_85, %mul3A_315 : i32
        %add3A_317 = arith.constant 15 : i32
        %add3A_318 = arith.addi %mul3A_316, %add3A_317 : i32
        %slice3A_319 = vector.extract_strided_slice %get3A_92 {offsets = [15], sizes = [1], strides = [1]} : vector<16xi32> to vector<1xi32>
        %squeeze3A_320 = vector.extract %slice3A_319[0] : i32 from vector<1xi32>
        %get3A_321 = arith.index_cast %add3A_318 : i32 to index
        %get3A_322 = arith.index_cast %squeeze3A_320 : i32 to index
        %get3A_323 = tpu.vector_load %arg7[%get3A_321, %get3A_322] {strides = array<i32>} : memref<128x128xf32, #tpu.memory_space<vmem>>, vector<1x16xf32>,
        %get3A_324 = vector.shape_cast %get3A_323 : vector<1x16xf32> to vector<16xf32>
        %swap3A_325 = arith.index_cast %add3A_318 : i32 to index
        %swap3A_326 = arith.constant 0 : index
        %swap3A_327 = tpu.vector_load %arg9[%swap3A_325, %swap3A_326] {strides = array<i32>} : memref<128x16xf32, #tpu.memory_space<vmem>>, vector<1x16xf32>,
        %swap3A_328 = vector.shape_cast %swap3A_327 : vector<1x16xf32> to vector<16xf32>
        %swap3A_329 = vector.shape_cast %get3A_324 : vector<16xf32> to vector<1x16xf32>
        tpu.vector_store %arg9[%swap3A_325, %swap3A_326], %swap3A_329 {strides = array<i32>} : memref<128x16xf32, #tpu.memory_space<vmem>>, vector<1x16xf32>,
      }
      %scan3A_44 = arith.constant 8 : i32
      %mul3A_45 = arith.constant 128 : i32
      %mul3A_46 = arith.muli %mul3A_20, %mul3A_45 : i32
      %add3A_47 = arith.addi %select_n3A, %mul3A_46 : i32
      %dma_start3A_48 = arith.constant 0 : i32
      %dma_start3A_49 = tpu.memref_slice %arg4[%select_n3A_6, %add3A_47, %dma_start3A_48] : memref<2x204800x16xf32, #tpu.memory_space<hbm>> -> memref<1x128x16xf32, #tpu.memory_space<hbm>>
      %dma_start3A_50 = tpu.memref_squeeze %dma_start3A_49 : memref<1x128x16xf32, #tpu.memory_space<hbm>> -> memref<128x16xf32, #tpu.memory_space<hbm>>
      %dma_start3A_51 = arith.constant 0 : i32
      %dma_start3A_52 = tpu.memref_slice %arg4[%select_n3A_6, %add3A_47, %dma_start3A_51] : memref<2x204800x16xf32, #tpu.memory_space<hbm>> -> memref<1x128x16xf32, #tpu.memory_space<hbm>>
      %dma_start3A_53 = tpu.memref_squeeze %dma_start3A_52 : memref<1x128x16xf32, #tpu.memory_space<hbm>> -> memref<128x16xf32, #tpu.memory_space<hbm>>
      tpu.enqueue_dma source(%arg9 : memref<128x16xf32, #tpu.memory_space<vmem>>) target(%dma_start3A_53 : memref<128x16xf32, #tpu.memory_space<hbm>>) target_semaphore(%arg13 : memref<!tpu.dma_semaphore, #tpu.memory_space<semaphore_mem>>)
      %dma_wait3A_54 = tpu.memref_slice %arg5[%mul3A_31] : memref<12800xi32, #tpu.memory_space<vmem>> -> memref<128xi32, #tpu.memory_space<vmem>>
      %dma_wait3A_55 = arith.constant 0 : i32
      %dma_wait3A_56 = arith.constant 0 : i32
      %dma_wait3A_57 = tpu.memref_slice %arg2[%dma_wait3A_55, %dma_wait3A_56] : memref<12500x128xf32, #tpu.memory_space<hbm>> -> memref<12500x128xf32, #tpu.memory_space<hbm>>
      tpu.wait_indirect_dma semaphore(%arg12 : memref<!tpu.dma_semaphore, #tpu.memory_space<semaphore_mem>>) src(%dma_wait3A_57 : memref<12500x128xf32, #tpu.memory_space<hbm>>) dst(%arg8 : memref<128x128xf32, #tpu.memory_space<vmem>>)
      %scan3A_58 = arith.constant 0 : i32
      %scan3A_59 = arith.constant 0 : i32
      %scan3A_60 = arith.constant 8 : i32
      %scan3A_61 = arith.addi %scan3A_59, %scan3A_60 : i32
      %scan3A_62 = arith.constant 1 : i32
      scf.for %scan3A_85 = %scan3A_59 to %scan3A_61 step %scan3A_62  : i32 {
        %mul3A_86 = arith.constant 128 : i32
        %mul3A_87 = arith.muli %add3A_24, %mul3A_86 : i32
        %mul3A_88 = arith.constant 16 : i32
        %mul3A_89 = arith.muli %scan3A_85, %mul3A_88 : i32
        %add3A_90 = arith.addi %mul3A_87, %mul3A_89 : i32
        %get3A = arith.index_cast %add3A_90 : i32 to index
        %get3A_91 = tpu.vector_load %arg6[%get3A] {strides = array<i32>} : memref<12800xi32, #tpu.memory_space<vmem>>, vector<16xi32>,
        %get3A_92 = vector.shape_cast %get3A_91 : vector<16xi32> to vector<16xi32>
        %mul3A_93 = arith.constant 16 : i32
        %mul3A_94 = arith.muli %scan3A_85, %mul3A_93 : i32
        %add3A_95 = arith.constant 0 : i32
        %add3A_96 = arith.addi %mul3A_94, %add3A_95 : i32
        %slice3A = vector.extract_strided_slice %get3A_92 {offsets = [0], sizes = [1], strides = [1]} : vector<16xi32> to vector<1xi32>
        %squeeze3A = vector.extract %slice3A[0] : i32 from vector<1xi32>
        %get3A_97 = arith.index_cast %add3A_96 : i32 to index
        %get3A_98 = arith.index_cast %squeeze3A : i32 to index
        %get3A_99 = tpu.vector_load %arg8[%get3A_97, %get3A_98] {strides = array<i32>} : memref<128x128xf32, #tpu.memory_space<vmem>>, vector<1x16xf32>,
        %get3A_100 = vector.shape_cast %get3A_99 : vector<1x16xf32> to vector<16xf32>
        %swap3A = arith.index_cast %add3A_96 : i32 to index
        %swap3A_101 = arith.constant 0 : index
        %swap3A_102 = tpu.vector_load %arg10[%swap3A, %swap3A_101] {strides = array<i32>} : memref<128x16xf32, #tpu.memory_space<vmem>>, vector<1x16xf32>,
        %swap3A_103 = vector.shape_cast %swap3A_102 : vector<1x16xf32> to vector<16xf32>
        %swap3A_104 = vector.shape_cast %get3A_100 : vector<16xf32> to vector<1x16xf32>
        tpu.vector_store %arg10[%swap3A, %swap3A_101], %swap3A_104 {strides = array<i32>} : memref<128x16xf32, #tpu.memory_space<vmem>>, vector<1x16xf32>,
        %mul3A_105 = arith.constant 16 : i32
        %mul3A_106 = arith.muli %scan3A_85, %mul3A_105 : i32
        %add3A_107 = arith.constant 1 : i32
        %add3A_108 = arith.addi %mul3A_106, %add3A_107 : i32
        %slice3A_109 = vector.extract_strided_slice %get3A_92 {offsets = [1], sizes = [1], strides = [1]} : vector<16xi32> to vector<1xi32>
        %squeeze3A_110 = vector.extract %slice3A_109[0] : i32 from vector<1xi32>
        %get3A_111 = arith.index_cast %add3A_108 : i32 to index
        %get3A_112 = arith.index_cast %squeeze3A_110 : i32 to index
        %get3A_113 = tpu.vector_load %arg8[%get3A_111, %get3A_112] {strides = array<i32>} : memref<128x128xf32, #tpu.memory_space<vmem>>, vector<1x16xf32>,
        %get3A_114 = vector.shape_cast %get3A_113 : vector<1x16xf32> to vector<16xf32>
        %swap3A_115 = arith.index_cast %add3A_108 : i32 to index
        %swap3A_116 = arith.constant 0 : index
        %swap3A_117 = tpu.vector_load %arg10[%swap3A_115, %swap3A_116] {strides = array<i32>} : memref<128x16xf32, #tpu.memory_space<vmem>>, vector<1x16xf32>,
        %swap3A_118 = vector.shape_cast %swap3A_117 : vector<1x16xf32> to vector<16xf32>
        %swap3A_119 = vector.shape_cast %get3A_114 : vector<16xf32> to vector<1x16xf32>
        tpu.vector_store %arg10[%swap3A_115, %swap3A_116], %swap3A_119 {strides = array<i32>} : memref<128x16xf32, #tpu.memory_space<vmem>>, vector<1x16xf32>,
        %mul3A_120 = arith.constant 16 : i32
        %mul3A_121 = arith.muli %scan3A_85, %mul3A_120 : i32
        %add3A_122 = arith.constant 2 : i32
        %add3A_123 = arith.addi %mul3A_121, %add3A_122 : i32
        %slice3A_124 = vector.extract_strided_slice %get3A_92 {offsets = [2], sizes = [1], strides = [1]} : vector<16xi32> to vector<1xi32>
        %squeeze3A_125 = vector.extract %slice3A_124[0] : i32 from vector<1xi32>
        %get3A_126 = arith.index_cast %add3A_123 : i32 to index
        %get3A_127 = arith.index_cast %squeeze3A_125 : i32 to index
        %get3A_128 = tpu.vector_load %arg8[%get3A_126, %get3A_127] {strides = array<i32>} : memref<128x128xf32, #tpu.memory_space<vmem>>, vector<1x16xf32>,
        %get3A_129 = vector.shape_cast %get3A_128 : vector<1x16xf32> to vector<16xf32>
        %swap3A_130 = arith.index_cast %add3A_123 : i32 to index
        %swap3A_131 = arith.constant 0 : index
        %swap3A_132 = tpu.vector_load %arg10[%swap3A_130, %swap3A_131] {strides = array<i32>} : memref<128x16xf32, #tpu.memory_space<vmem>>, vector<1x16xf32>,
        %swap3A_133 = vector.shape_cast %swap3A_132 : vector<1x16xf32> to vector<16xf32>
        %swap3A_134 = vector.shape_cast %get3A_129 : vector<16xf32> to vector<1x16xf32>
        tpu.vector_store %arg10[%swap3A_130, %swap3A_131], %swap3A_134 {strides = array<i32>} : memref<128x16xf32, #tpu.memory_space<vmem>>, vector<1x16xf32>,
        %mul3A_135 = arith.constant 16 : i32
        %mul3A_136 = arith.muli %scan3A_85, %mul3A_135 : i32
        %add3A_137 = arith.constant 3 : i32
        %add3A_138 = arith.addi %mul3A_136, %add3A_137 : i32
        %slice3A_139 = vector.extract_strided_slice %get3A_92 {offsets = [3], sizes = [1], strides = [1]} : vector<16xi32> to vector<1xi32>
        %squeeze3A_140 = vector.extract %slice3A_139[0] : i32 from vector<1xi32>
        %get3A_141 = arith.index_cast %add3A_138 : i32 to index
        %get3A_142 = arith.index_cast %squeeze3A_140 : i32 to index
        %get3A_143 = tpu.vector_load %arg8[%get3A_141, %get3A_142] {strides = array<i32>} : memref<128x128xf32, #tpu.memory_space<vmem>>, vector<1x16xf32>,
        %get3A_144 = vector.shape_cast %get3A_143 : vector<1x16xf32> to vector<16xf32>
        %swap3A_145 = arith.index_cast %add3A_138 : i32 to index
        %swap3A_146 = arith.constant 0 : index
        %swap3A_147 = tpu.vector_load %arg10[%swap3A_145, %swap3A_146] {strides = array<i32>} : memref<128x16xf32, #tpu.memory_space<vmem>>, vector<1x16xf32>,
        %swap3A_148 = vector.shape_cast %swap3A_147 : vector<1x16xf32> to vector<16xf32>
        %swap3A_149 = vector.shape_cast %get3A_144 : vector<16xf32> to vector<1x16xf32>
        tpu.vector_store %arg10[%swap3A_145, %swap3A_146], %swap3A_149 {strides = array<i32>} : memref<128x16xf32, #tpu.memory_space<vmem>>, vector<1x16xf32>,
        %mul3A_150 = arith.constant 16 : i32
        %mul3A_151 = arith.muli %scan3A_85, %mul3A_150 : i32
        %add3A_152 = arith.constant 4 : i32
        %add3A_153 = arith.addi %mul3A_151, %add3A_152 : i32
        %slice3A_154 = vector.extract_strided_slice %get3A_92 {offsets = [4], sizes = [1], strides = [1]} : vector<16xi32> to vector<1xi32>
        %squeeze3A_155 = vector.extract %slice3A_154[0] : i32 from vector<1xi32>
        %get3A_156 = arith.index_cast %add3A_153 : i32 to index
        %get3A_157 = arith.index_cast %squeeze3A_155 : i32 to index
        %get3A_158 = tpu.vector_load %arg8[%get3A_156, %get3A_157] {strides = array<i32>} : memref<128x128xf32, #tpu.memory_space<vmem>>, vector<1x16xf32>,
        %get3A_159 = vector.shape_cast %get3A_158 : vector<1x16xf32> to vector<16xf32>
        %swap3A_160 = arith.index_cast %add3A_153 : i32 to index
        %swap3A_161 = arith.constant 0 : index
        %swap3A_162 = tpu.vector_load %arg10[%swap3A_160, %swap3A_161] {strides = array<i32>} : memref<128x16xf32, #tpu.memory_space<vmem>>, vector<1x16xf32>,
        %swap3A_163 = vector.shape_cast %swap3A_162 : vector<1x16xf32> to vector<16xf32>
        %swap3A_164 = vector.shape_cast %get3A_159 : vector<16xf32> to vector<1x16xf32>
        tpu.vector_store %arg10[%swap3A_160, %swap3A_161], %swap3A_164 {strides = array<i32>} : memref<128x16xf32, #tpu.memory_space<vmem>>, vector<1x16xf32>,
        %mul3A_165 = arith.constant 16 : i32
        %mul3A_166 = arith.muli %scan3A_85, %mul3A_165 : i32
        %add3A_167 = arith.constant 5 : i32
        %add3A_168 = arith.addi %mul3A_166, %add3A_167 : i32
        %slice3A_169 = vector.extract_strided_slice %get3A_92 {offsets = [5], sizes = [1], strides = [1]} : vector<16xi32> to vector<1xi32>
        %squeeze3A_170 = vector.extract %slice3A_169[0] : i32 from vector<1xi32>
        %get3A_171 = arith.index_cast %add3A_168 : i32 to index
        %get3A_172 = arith.index_cast %squeeze3A_170 : i32 to index
        %get3A_173 = tpu.vector_load %arg8[%get3A_171, %get3A_172] {strides = array<i32>} : memref<128x128xf32, #tpu.memory_space<vmem>>, vector<1x16xf32>,
        %get3A_174 = vector.shape_cast %get3A_173 : vector<1x16xf32> to vector<16xf32>
        %swap3A_175 = arith.index_cast %add3A_168 : i32 to index
        %swap3A_176 = arith.constant 0 : index
        %swap3A_177 = tpu.vector_load %arg10[%swap3A_175, %swap3A_176] {strides = array<i32>} : memref<128x16xf32, #tpu.memory_space<vmem>>, vector<1x16xf32>,
        %swap3A_178 = vector.shape_cast %swap3A_177 : vector<1x16xf32> to vector<16xf32>
        %swap3A_179 = vector.shape_cast %get3A_174 : vector<16xf32> to vector<1x16xf32>
        tpu.vector_store %arg10[%swap3A_175, %swap3A_176], %swap3A_179 {strides = array<i32>} : memref<128x16xf32, #tpu.memory_space<vmem>>, vector<1x16xf32>,
        %mul3A_180 = arith.constant 16 : i32
        %mul3A_181 = arith.muli %scan3A_85, %mul3A_180 : i32
        %add3A_182 = arith.constant 6 : i32
        %add3A_183 = arith.addi %mul3A_181, %add3A_182 : i32
        %slice3A_184 = vector.extract_strided_slice %get3A_92 {offsets = [6], sizes = [1], strides = [1]} : vector<16xi32> to vector<1xi32>
        %squeeze3A_185 = vector.extract %slice3A_184[0] : i32 from vector<1xi32>
        %get3A_186 = arith.index_cast %add3A_183 : i32 to index
        %get3A_187 = arith.index_cast %squeeze3A_185 : i32 to index
        %get3A_188 = tpu.vector_load %arg8[%get3A_186, %get3A_187] {strides = array<i32>} : memref<128x128xf32, #tpu.memory_space<vmem>>, vector<1x16xf32>,
        %get3A_189 = vector.shape_cast %get3A_188 : vector<1x16xf32> to vector<16xf32>
        %swap3A_190 = arith.index_cast %add3A_183 : i32 to index
        %swap3A_191 = arith.constant 0 : index
        %swap3A_192 = tpu.vector_load %arg10[%swap3A_190, %swap3A_191] {strides = array<i32>} : memref<128x16xf32, #tpu.memory_space<vmem>>, vector<1x16xf32>,
        %swap3A_193 = vector.shape_cast %swap3A_192 : vector<1x16xf32> to vector<16xf32>
        %swap3A_194 = vector.shape_cast %get3A_189 : vector<16xf32> to vector<1x16xf32>
        tpu.vector_store %arg10[%swap3A_190, %swap3A_191], %swap3A_194 {strides = array<i32>} : memref<128x16xf32, #tpu.memory_space<vmem>>, vector<1x16xf32>,
        %mul3A_195 = arith.constant 16 : i32
        %mul3A_196 = arith.muli %scan3A_85, %mul3A_195 : i32
        %add3A_197 = arith.constant 7 : i32
        %add3A_198 = arith.addi %mul3A_196, %add3A_197 : i32
        %slice3A_199 = vector.extract_strided_slice %get3A_92 {offsets = [7], sizes = [1], strides = [1]} : vector<16xi32> to vector<1xi32>
        %squeeze3A_200 = vector.extract %slice3A_199[0] : i32 from vector<1xi32>
        %get3A_201 = arith.index_cast %add3A_198 : i32 to index
        %get3A_202 = arith.index_cast %squeeze3A_200 : i32 to index
        %get3A_203 = tpu.vector_load %arg8[%get3A_201, %get3A_202] {strides = array<i32>} : memref<128x128xf32, #tpu.memory_space<vmem>>, vector<1x16xf32>,
        %get3A_204 = vector.shape_cast %get3A_203 : vector<1x16xf32> to vector<16xf32>
        %swap3A_205 = arith.index_cast %add3A_198 : i32 to index
        %swap3A_206 = arith.constant 0 : index
        %swap3A_207 = tpu.vector_load %arg10[%swap3A_205, %swap3A_206] {strides = array<i32>} : memref<128x16xf32, #tpu.memory_space<vmem>>, vector<1x16xf32>,
        %swap3A_208 = vector.shape_cast %swap3A_207 : vector<1x16xf32> to vector<16xf32>
        %swap3A_209 = vector.shape_cast %get3A_204 : vector<16xf32> to vector<1x16xf32>
        tpu.vector_store %arg10[%swap3A_205, %swap3A_206], %swap3A_209 {strides = array<i32>} : memref<128x16xf32, #tpu.memory_space<vmem>>, vector<1x16xf32>,
        %mul3A_210 = arith.constant 16 : i32
        %mul3A_211 = arith.muli %scan3A_85, %mul3A_210 : i32
        %add3A_212 = arith.constant 8 : i32
        %add3A_213 = arith.addi %mul3A_211, %add3A_212 : i32
        %slice3A_214 = vector.extract_strided_slice %get3A_92 {offsets = [8], sizes = [1], strides = [1]} : vector<16xi32> to vector<1xi32>
        %squeeze3A_215 = vector.extract %slice3A_214[0] : i32 from vector<1xi32>
        %get3A_216 = arith.index_cast %add3A_213 : i32 to index
        %get3A_217 = arith.index_cast %squeeze3A_215 : i32 to index
        %get3A_218 = tpu.vector_load %arg8[%get3A_216, %get3A_217] {strides = array<i32>} : memref<128x128xf32, #tpu.memory_space<vmem>>, vector<1x16xf32>,
        %get3A_219 = vector.shape_cast %get3A_218 : vector<1x16xf32> to vector<16xf32>
        %swap3A_220 = arith.index_cast %add3A_213 : i32 to index
        %swap3A_221 = arith.constant 0 : index
        %swap3A_222 = tpu.vector_load %arg10[%swap3A_220, %swap3A_221] {strides = array<i32>} : memref<128x16xf32, #tpu.memory_space<vmem>>, vector<1x16xf32>,
        %swap3A_223 = vector.shape_cast %swap3A_222 : vector<1x16xf32> to vector<16xf32>
        %swap3A_224 = vector.shape_cast %get3A_219 : vector<16xf32> to vector<1x16xf32>
        tpu.vector_store %arg10[%swap3A_220, %swap3A_221], %swap3A_224 {strides = array<i32>} : memref<128x16xf32, #tpu.memory_space<vmem>>, vector<1x16xf32>,
        %mul3A_225 = arith.constant 16 : i32
        %mul3A_226 = arith.muli %scan3A_85, %mul3A_225 : i32
        %add3A_227 = arith.constant 9 : i32
        %add3A_228 = arith.addi %mul3A_226, %add3A_227 : i32
        %slice3A_229 = vector.extract_strided_slice %get3A_92 {offsets = [9], sizes = [1], strides = [1]} : vector<16xi32> to vector<1xi32>
        %squeeze3A_230 = vector.extract %slice3A_229[0] : i32 from vector<1xi32>
        %get3A_231 = arith.index_cast %add3A_228 : i32 to index
        %get3A_232 = arith.index_cast %squeeze3A_230 : i32 to index
        %get3A_233 = tpu.vector_load %arg8[%get3A_231, %get3A_232] {strides = array<i32>} : memref<128x128xf32, #tpu.memory_space<vmem>>, vector<1x16xf32>,
        %get3A_234 = vector.shape_cast %get3A_233 : vector<1x16xf32> to vector<16xf32>
        %swap3A_235 = arith.index_cast %add3A_228 : i32 to index
        %swap3A_236 = arith.constant 0 : index
        %swap3A_237 = tpu.vector_load %arg10[%swap3A_235, %swap3A_236] {strides = array<i32>} : memref<128x16xf32, #tpu.memory_space<vmem>>, vector<1x16xf32>,
        %swap3A_238 = vector.shape_cast %swap3A_237 : vector<1x16xf32> to vector<16xf32>
        %swap3A_239 = vector.shape_cast %get3A_234 : vector<16xf32> to vector<1x16xf32>
        tpu.vector_store %arg10[%swap3A_235, %swap3A_236], %swap3A_239 {strides = array<i32>} : memref<128x16xf32, #tpu.memory_space<vmem>>, vector<1x16xf32>,
        %mul3A_240 = arith.constant 16 : i32
        %mul3A_241 = arith.muli %scan3A_85, %mul3A_240 : i32
        %add3A_242 = arith.constant 10 : i32
        %add3A_243 = arith.addi %mul3A_241, %add3A_242 : i32
        %slice3A_244 = vector.extract_strided_slice %get3A_92 {offsets = [10], sizes = [1], strides = [1]} : vector<16xi32> to vector<1xi32>
        %squeeze3A_245 = vector.extract %slice3A_244[0] : i32 from vector<1xi32>
        %get3A_246 = arith.index_cast %add3A_243 : i32 to index
        %get3A_247 = arith.index_cast %squeeze3A_245 : i32 to index
        %get3A_248 = tpu.vector_load %arg8[%get3A_246, %get3A_247] {strides = array<i32>} : memref<128x128xf32, #tpu.memory_space<vmem>>, vector<1x16xf32>,
        %get3A_249 = vector.shape_cast %get3A_248 : vector<1x16xf32> to vector<16xf32>
        %swap3A_250 = arith.index_cast %add3A_243 : i32 to index
        %swap3A_251 = arith.constant 0 : index
        %swap3A_252 = tpu.vector_load %arg10[%swap3A_250, %swap3A_251] {strides = array<i32>} : memref<128x16xf32, #tpu.memory_space<vmem>>, vector<1x16xf32>,
        %swap3A_253 = vector.shape_cast %swap3A_252 : vector<1x16xf32> to vector<16xf32>
        %swap3A_254 = vector.shape_cast %get3A_249 : vector<16xf32> to vector<1x16xf32>
        tpu.vector_store %arg10[%swap3A_250, %swap3A_251], %swap3A_254 {strides = array<i32>} : memref<128x16xf32, #tpu.memory_space<vmem>>, vector<1x16xf32>,
        %mul3A_255 = arith.constant 16 : i32
        %mul3A_256 = arith.muli %scan3A_85, %mul3A_255 : i32
        %add3A_257 = arith.constant 11 : i32
        %add3A_258 = arith.addi %mul3A_256, %add3A_257 : i32
        %slice3A_259 = vector.extract_strided_slice %get3A_92 {offsets = [11], sizes = [1], strides = [1]} : vector<16xi32> to vector<1xi32>
        %squeeze3A_260 = vector.extract %slice3A_259[0] : i32 from vector<1xi32>
        %get3A_261 = arith.index_cast %add3A_258 : i32 to index
        %get3A_262 = arith.index_cast %squeeze3A_260 : i32 to index
        %get3A_263 = tpu.vector_load %arg8[%get3A_261, %get3A_262] {strides = array<i32>} : memref<128x128xf32, #tpu.memory_space<vmem>>, vector<1x16xf32>,
        %get3A_264 = vector.shape_cast %get3A_263 : vector<1x16xf32> to vector<16xf32>
        %swap3A_265 = arith.index_cast %add3A_258 : i32 to index
        %swap3A_266 = arith.constant 0 : index
        %swap3A_267 = tpu.vector_load %arg10[%swap3A_265, %swap3A_266] {strides = array<i32>} : memref<128x16xf32, #tpu.memory_space<vmem>>, vector<1x16xf32>,
        %swap3A_268 = vector.shape_cast %swap3A_267 : vector<1x16xf32> to vector<16xf32>
        %swap3A_269 = vector.shape_cast %get3A_264 : vector<16xf32> to vector<1x16xf32>
        tpu.vector_store %arg10[%swap3A_265, %swap3A_266], %swap3A_269 {strides = array<i32>} : memref<128x16xf32, #tpu.memory_space<vmem>>, vector<1x16xf32>,
        %mul3A_270 = arith.constant 16 : i32
        %mul3A_271 = arith.muli %scan3A_85, %mul3A_270 : i32
        %add3A_272 = arith.constant 12 : i32
        %add3A_273 = arith.addi %mul3A_271, %add3A_272 : i32
        %slice3A_274 = vector.extract_strided_slice %get3A_92 {offsets = [12], sizes = [1], strides = [1]} : vector<16xi32> to vector<1xi32>
        %squeeze3A_275 = vector.extract %slice3A_274[0] : i32 from vector<1xi32>
        %get3A_276 = arith.index_cast %add3A_273 : i32 to index
        %get3A_277 = arith.index_cast %squeeze3A_275 : i32 to index
        %get3A_278 = tpu.vector_load %arg8[%get3A_276, %get3A_277] {strides = array<i32>} : memref<128x128xf32, #tpu.memory_space<vmem>>, vector<1x16xf32>,
        %get3A_279 = vector.shape_cast %get3A_278 : vector<1x16xf32> to vector<16xf32>
        %swap3A_280 = arith.index_cast %add3A_273 : i32 to index
        %swap3A_281 = arith.constant 0 : index
        %swap3A_282 = tpu.vector_load %arg10[%swap3A_280, %swap3A_281] {strides = array<i32>} : memref<128x16xf32, #tpu.memory_space<vmem>>, vector<1x16xf32>,
        %swap3A_283 = vector.shape_cast %swap3A_282 : vector<1x16xf32> to vector<16xf32>
        %swap3A_284 = vector.shape_cast %get3A_279 : vector<16xf32> to vector<1x16xf32>
        tpu.vector_store %arg10[%swap3A_280, %swap3A_281], %swap3A_284 {strides = array<i32>} : memref<128x16xf32, #tpu.memory_space<vmem>>, vector<1x16xf32>,
        %mul3A_285 = arith.constant 16 : i32
        %mul3A_286 = arith.muli %scan3A_85, %mul3A_285 : i32
        %add3A_287 = arith.constant 13 : i32
        %add3A_288 = arith.addi %mul3A_286, %add3A_287 : i32
        %slice3A_289 = vector.extract_strided_slice %get3A_92 {offsets = [13], sizes = [1], strides = [1]} : vector<16xi32> to vector<1xi32>
        %squeeze3A_290 = vector.extract %slice3A_289[0] : i32 from vector<1xi32>
        %get3A_291 = arith.index_cast %add3A_288 : i32 to index
        %get3A_292 = arith.index_cast %squeeze3A_290 : i32 to index
        %get3A_293 = tpu.vector_load %arg8[%get3A_291, %get3A_292] {strides = array<i32>} : memref<128x128xf32, #tpu.memory_space<vmem>>, vector<1x16xf32>,
        %get3A_294 = vector.shape_cast %get3A_293 : vector<1x16xf32> to vector<16xf32>
        %swap3A_295 = arith.index_cast %add3A_288 : i32 to index
        %swap3A_296 = arith.constant 0 : index
        %swap3A_297 = tpu.vector_load %arg10[%swap3A_295, %swap3A_296] {strides = array<i32>} : memref<128x16xf32, #tpu.memory_space<vmem>>, vector<1x16xf32>,
        %swap3A_298 = vector.shape_cast %swap3A_297 : vector<1x16xf32> to vector<16xf32>
        %swap3A_299 = vector.shape_cast %get3A_294 : vector<16xf32> to vector<1x16xf32>
        tpu.vector_store %arg10[%swap3A_295, %swap3A_296], %swap3A_299 {strides = array<i32>} : memref<128x16xf32, #tpu.memory_space<vmem>>, vector<1x16xf32>,
        %mul3A_300 = arith.constant 16 : i32
        %mul3A_301 = arith.muli %scan3A_85, %mul3A_300 : i32
        %add3A_302 = arith.constant 14 : i32
        %add3A_303 = arith.addi %mul3A_301, %add3A_302 : i32
        %slice3A_304 = vector.extract_strided_slice %get3A_92 {offsets = [14], sizes = [1], strides = [1]} : vector<16xi32> to vector<1xi32>
        %squeeze3A_305 = vector.extract %slice3A_304[0] : i32 from vector<1xi32>
        %get3A_306 = arith.index_cast %add3A_303 : i32 to index
        %get3A_307 = arith.index_cast %squeeze3A_305 : i32 to index
        %get3A_308 = tpu.vector_load %arg8[%get3A_306, %get3A_307] {strides = array<i32>} : memref<128x128xf32, #tpu.memory_space<vmem>>, vector<1x16xf32>,
        %get3A_309 = vector.shape_cast %get3A_308 : vector<1x16xf32> to vector<16xf32>
        %swap3A_310 = arith.index_cast %add3A_303 : i32 to index
        %swap3A_311 = arith.constant 0 : index
        %swap3A_312 = tpu.vector_load %arg10[%swap3A_310, %swap3A_311] {strides = array<i32>} : memref<128x16xf32, #tpu.memory_space<vmem>>, vector<1x16xf32>,
        %swap3A_313 = vector.shape_cast %swap3A_312 : vector<1x16xf32> to vector<16xf32>
        %swap3A_314 = vector.shape_cast %get3A_309 : vector<16xf32> to vector<1x16xf32>
        tpu.vector_store %arg10[%swap3A_310, %swap3A_311], %swap3A_314 {strides = array<i32>} : memref<128x16xf32, #tpu.memory_space<vmem>>, vector<1x16xf32>,
        %mul3A_315 = arith.constant 16 : i32
        %mul3A_316 = arith.muli %scan3A_85, %mul3A_315 : i32
        %add3A_317 = arith.constant 15 : i32
        %add3A_318 = arith.addi %mul3A_316, %add3A_317 : i32
        %slice3A_319 = vector.extract_strided_slice %get3A_92 {offsets = [15], sizes = [1], strides = [1]} : vector<16xi32> to vector<1xi32>
        %squeeze3A_320 = vector.extract %slice3A_319[0] : i32 from vector<1xi32>
        %get3A_321 = arith.index_cast %add3A_318 : i32 to index
        %get3A_322 = arith.index_cast %squeeze3A_320 : i32 to index
        %get3A_323 = tpu.vector_load %arg8[%get3A_321, %get3A_322] {strides = array<i32>} : memref<128x128xf32, #tpu.memory_space<vmem>>, vector<1x16xf32>,
        %get3A_324 = vector.shape_cast %get3A_323 : vector<1x16xf32> to vector<16xf32>
        %swap3A_325 = arith.index_cast %add3A_318 : i32 to index
        %swap3A_326 = arith.constant 0 : index
        %swap3A_327 = tpu.vector_load %arg10[%swap3A_325, %swap3A_326] {strides = array<i32>} : memref<128x16xf32, #tpu.memory_space<vmem>>, vector<1x16xf32>,
        %swap3A_328 = vector.shape_cast %swap3A_327 : vector<1x16xf32> to vector<16xf32>
        %swap3A_329 = vector.shape_cast %get3A_324 : vector<16xf32> to vector<1x16xf32>
        tpu.vector_store %arg10[%swap3A_325, %swap3A_326], %swap3A_329 {strides = array<i32>} : memref<128x16xf32, #tpu.memory_space<vmem>>, vector<1x16xf32>,
      }
      %scan3A_63 = arith.constant 8 : i32
      %mul3A_64 = arith.constant 128 : i32
      %mul3A_65 = arith.muli %add3A_24, %mul3A_64 : i32
      %add3A_66 = arith.addi %select_n3A, %mul3A_65 : i32
      %dma_start3A_67 = arith.constant 0 : i32
      %dma_start3A_68 = tpu.memref_slice %arg4[%select_n3A_6, %add3A_66, %dma_start3A_67] : memref<2x204800x16xf32, #tpu.memory_space<hbm>> -> memref<1x128x16xf32, #tpu.memory_space<hbm>>
      %dma_start3A_69 = tpu.memref_squeeze %dma_start3A_68 : memref<1x128x16xf32, #tpu.memory_space<hbm>> -> memref<128x16xf32, #tpu.memory_space<hbm>>
      %dma_start3A_70 = arith.constant 0 : i32
      %dma_start3A_71 = tpu.memref_slice %arg4[%select_n3A_6, %add3A_66, %dma_start3A_70] : memref<2x204800x16xf32, #tpu.memory_space<hbm>> -> memref<1x128x16xf32, #tpu.memory_space<hbm>>
      %dma_start3A_72 = tpu.memref_squeeze %dma_start3A_71 : memref<1x128x16xf32, #tpu.memory_space<hbm>> -> memref<128x16xf32, #tpu.memory_space<hbm>>
      tpu.enqueue_dma source(%arg10 : memref<128x16xf32, #tpu.memory_space<vmem>>) target(%dma_start3A_72 : memref<128x16xf32, #tpu.memory_space<hbm>>) target_semaphore(%arg14 : memref<!tpu.dma_semaphore, #tpu.memory_space<semaphore_mem>>)
      %dma_wait3A_73 = arith.constant 0 : i32
      %dma_wait3A_74 = tpu.memref_slice %arg4[%select_n3A_6, %add3A_47, %dma_wait3A_73] : memref<2x204800x16xf32, #tpu.memory_space<hbm>> -> memref<1x128x16xf32, #tpu.memory_space<hbm>>
      %dma_wait3A_75 = tpu.memref_squeeze %dma_wait3A_74 : memref<1x128x16xf32, #tpu.memory_space<hbm>> -> memref<128x16xf32, #tpu.memory_space<hbm>>
      %dma_wait3A_76 = arith.constant 0 : i32
      %dma_wait3A_77 = tpu.memref_slice %arg4[%select_n3A_6, %add3A_47, %dma_wait3A_76] : memref<2x204800x16xf32, #tpu.memory_space<hbm>> -> memref<1x128x16xf32, #tpu.memory_space<hbm>>
      %dma_wait3A_78 = tpu.memref_squeeze %dma_wait3A_77 : memref<1x128x16xf32, #tpu.memory_space<hbm>> -> memref<128x16xf32, #tpu.memory_space<hbm>>
      tpu.wait_dma2 semaphore(%arg13 : memref<!tpu.dma_semaphore, #tpu.memory_space<semaphore_mem>>) src(%arg9 : memref<128x16xf32, #tpu.memory_space<vmem>>) dst(%dma_wait3A_78 : memref<128x16xf32, #tpu.memory_space<hbm>>)
      %dma_wait3A_79 = arith.constant 0 : i32
      %dma_wait3A_80 = tpu.memref_slice %arg4[%select_n3A_6, %add3A_66, %dma_wait3A_79] : memref<2x204800x16xf32, #tpu.memory_space<hbm>> -> memref<1x128x16xf32, #tpu.memory_space<hbm>>
      %dma_wait3A_81 = tpu.memref_squeeze %dma_wait3A_80 : memref<1x128x16xf32, #tpu.memory_space<hbm>> -> memref<128x16xf32, #tpu.memory_space<hbm>>
      %dma_wait3A_82 = arith.constant 0 : i32
      %dma_wait3A_83 = tpu.memref_slice %arg4[%select_n3A_6, %add3A_66, %dma_wait3A_82] : memref<2x204800x16xf32, #tpu.memory_space<hbm>> -> memref<1x128x16xf32, #tpu.memory_space<hbm>>
      %dma_wait3A_84 = tpu.memref_squeeze %dma_wait3A_83 : memref<1x128x16xf32, #tpu.memory_space<hbm>> -> memref<128x16xf32, #tpu.memory_space<hbm>>
      tpu.wait_dma2 semaphore(%arg14 : memref<!tpu.dma_semaphore, #tpu.memory_space<semaphore_mem>>) src(%arg10 : memref<128x16xf32, #tpu.memory_space<vmem>>) dst(%dma_wait3A_84 : memref<128x16xf32, #tpu.memory_space<hbm>>)
    }
    %scan3A_17 = arith.constant 50 : i32
    return
  }
}

module attributes {stable_mosaic.version = 14 : i64} {
  func.func @_tc_body(%arg0: i32, %arg1: memref<1x2048x16xf32, #tpu.memory_space<vmem>>, %arg2: memref<1x2048x16xf32, #tpu.memory_space<vmem>>, %arg3: memref<9x2048xf32, #tpu.memory_space<vmem>>, %arg4: memref<2x32xf32, #tpu.memory_space<vmem>>, %arg5: memref<16x128xf32, #tpu.memory_space<vmem>>, %arg6: memref<16x128xf32, #tpu.memory_space<vmem>>, %arg7: memref<6x128xf32, #tpu.memory_space<vmem>>, %arg8: memref<32x128xf32, #tpu.memory_space<vmem>>, %arg9: memref<32x128xf32, #tpu.memory_space<vmem>>, %arg10: memref<1x128xf32, #tpu.memory_space<vmem>>, %arg11: memref<128x128xf32, #tpu.memory_space<vmem>>, %arg12: memref<1x128xf32, #tpu.memory_space<vmem>>, %arg13: memref<1x128xf32, #tpu.memory_space<vmem>>, %arg14: memref<2048x128xf32, #tpu.memory_space<vmem>>) attributes {dimension_semantics = [#tpu.dimension_semantics<arbitrary>], iteration_bounds = array<i64: 100>, scalar_prefetch = 0 : i64, scratch_operands = 0 : i64, tpu.core_type = #tpu.core_type<tc>, window_params = [{transform_indices = @transform_0, window_bounds = array<i64: 1, 2048, 16>}, {transform_indices = @transform_1, window_bounds = array<i64: 1, 2048, 16>}, {transform_indices = @transform_2, window_bounds = array<i64: 9, 2048>}, {pipeline_mode = #tpu.pipeline_mode<synchronous>, transform_indices = @transform_3, window_bounds = array<i64: 2, 32>}, {pipeline_mode = #tpu.pipeline_mode<synchronous>, transform_indices = @transform_4, window_bounds = array<i64: 16, 128>}, {pipeline_mode = #tpu.pipeline_mode<synchronous>, transform_indices = @transform_5, window_bounds = array<i64: 16, 128>}, {pipeline_mode = #tpu.pipeline_mode<synchronous>, transform_indices = @transform_6, window_bounds = array<i64: 6, 128>}, {pipeline_mode = #tpu.pipeline_mode<synchronous>, transform_indices = @transform_7, window_bounds = array<i64: 32, 128>}, {pipeline_mode = #tpu.pipeline_mode<synchronous>, transform_indices = @transform_8, window_bounds = array<i64: 32, 128>}, {pipeline_mode = #tpu.pipeline_mode<synchronous>, transform_indices = @transform_9, window_bounds = array<i64: 1, 128>}, {pipeline_mode = #tpu.pipeline_mode<synchronous>, transform_indices = @transform_10, window_bounds = array<i64: 128, 128>}, {pipeline_mode = #tpu.pipeline_mode<synchronous>, transform_indices = @transform_11, window_bounds = array<i64: 1, 128>}, {pipeline_mode = #tpu.pipeline_mode<synchronous>, transform_indices = @transform_12, window_bounds = array<i64: 1, 128>}, {transform_indices = @transform_13, window_bounds = array<i64: 2048, 128>}]} {
    %get3A = arith.constant 0 : index
    %get3A_0 = arith.constant 0 : index
    %get3A_1 = vector.load %arg3[%get3A, %get3A_0] : memref<9x2048xf32, #tpu.memory_space<vmem>>, vector<9x2048xf32>
    %transpose3A = tpu.transpose %get3A_1, [1, 0] : vector<9x2048xf32> -> vector<2048x9xf32>
    %slice3A = vector.extract_strided_slice %transpose3A {offsets = [0, 2], sizes = [2048, 1], strides = [1, 1]} : vector<2048x9xf32> to vector<2048x1xf32>
    %slice3A_2 = vector.extract_strided_slice %transpose3A {offsets = [0, 3], sizes = [2048, 6], strides = [1, 1]} : vector<2048x9xf32> to vector<2048x6xf32>
    %slice3A_3 = vector.extract_strided_slice %transpose3A {offsets = [0, 0], sizes = [2048, 2], strides = [1, 1]} : vector<2048x9xf32> to vector<2048x2xf32>
    %get3A_4 = arith.constant 0 : index
    %get3A_5 = arith.constant 0 : index
    %get3A_6 = vector.load %arg4[%get3A_4, %get3A_5] : memref<2x32xf32, #tpu.memory_space<vmem>>, vector<2x32xf32>
    %dot_general3A = arith.constant dense<0.000000e+00> : vector<2048x32xf32>
    %dot_general3A_7 = tpu.matmul %slice3A_3, %get3A_6, %dot_general3A {dimension_numbers = #tpu.dot_dimension_numbers<[1], [0], [0], [1], [0, 0, 1, 1], [], []>, transpose_lhs_hint = false} : vector<2048x2xf32>, vector<2x32xf32>, vector<2048x32xf32> -> vector<2048x32xf32>
    %mul3A = arith.mulf %dot_general3A_7, %dot_general3A_7 : vector<2048x32xf32>
    %mul3A_8 = arith.constant -1.92652922E-4 : f32
    %mul3A_9 = vector.broadcast %mul3A_8 : f32 to vector<2048x32xf32>
    %mul3A_10 = arith.mulf %mul3A, %mul3A_9 : vector<2048x32xf32>
    %add3A = arith.constant 0.00832931883 : f32
    %add3A_11 = vector.broadcast %add3A : f32 to vector<2048x32xf32>
    %add3A_12 = arith.addf %add3A_11, %mul3A_10 : vector<2048x32xf32>
    %mul3A_13 = arith.mulf %mul3A, %add3A_12 : vector<2048x32xf32>
    %add3A_14 = arith.constant -0.166665643 : f32
    %add3A_15 = vector.broadcast %add3A_14 : f32 to vector<2048x32xf32>
    %add3A_16 = arith.addf %add3A_15, %mul3A_13 : vector<2048x32xf32>
    %mul3A_17 = arith.mulf %mul3A, %add3A_16 : vector<2048x32xf32>
    %add3A_18 = arith.constant 0.99999994 : f32
    %add3A_19 = vector.broadcast %add3A_18 : f32 to vector<2048x32xf32>
    %add3A_20 = arith.addf %add3A_19, %mul3A_17 : vector<2048x32xf32>
    %mul3A_21 = arith.mulf %dot_general3A_7, %add3A_20 : vector<2048x32xf32>
    %mul3A_22 = arith.constant 2.4156594E-5 : f32
    %mul3A_23 = vector.broadcast %mul3A_22 : f32 to vector<2048x32xf32>
    %mul3A_24 = arith.mulf %mul3A, %mul3A_23 : vector<2048x32xf32>
    %add3A_25 = arith.constant -0.00138835981 : f32
    %add3A_26 = vector.broadcast %add3A_25 : f32 to vector<2048x32xf32>
    %add3A_27 = arith.addf %add3A_26, %mul3A_24 : vector<2048x32xf32>
    %mul3A_28 = arith.mulf %mul3A, %add3A_27 : vector<2048x32xf32>
    %add3A_29 = arith.constant 0.0416664891 : f32
    %add3A_30 = vector.broadcast %add3A_29 : f32 to vector<2048x32xf32>
    %add3A_31 = arith.addf %add3A_30, %mul3A_28 : vector<2048x32xf32>
    %mul3A_32 = arith.mulf %mul3A, %add3A_31 : vector<2048x32xf32>
    %add3A_33 = arith.constant -0.49999997 : f32
    %add3A_34 = vector.broadcast %add3A_33 : f32 to vector<2048x32xf32>
    %add3A_35 = arith.addf %add3A_34, %mul3A_32 : vector<2048x32xf32>
    %mul3A_36 = arith.mulf %mul3A, %add3A_35 : vector<2048x32xf32>
    %add3A_37 = arith.constant 1.000000e+00 : f32
    %add3A_38 = vector.broadcast %add3A_37 : f32 to vector<2048x32xf32>
    %add3A_39 = arith.addf %add3A_38, %mul3A_36 : vector<2048x32xf32>
    %get3A_40 = arith.constant 0 : index
    %get3A_41 = arith.constant 0 : index
    %get3A_42 = arith.constant 0 : index
    %get3A_43 = vector.load %arg1[%get3A_40, %get3A_41, %get3A_42] : memref<1x2048x16xf32, #tpu.memory_space<vmem>>, vector<1x2048x16xf32>
    %reshape3A = vector.shape_cast %get3A_43 : vector<1x2048x16xf32> to vector<2048x16xf32>
    %get3A_44 = arith.constant 0 : index
    %get3A_45 = arith.constant 0 : index
    %get3A_46 = arith.constant 0 : index
    %get3A_47 = vector.load %arg2[%get3A_44, %get3A_45, %get3A_46] : memref<1x2048x16xf32, #tpu.memory_space<vmem>>, vector<1x2048x16xf32>
    %reshape3A_48 = vector.shape_cast %get3A_47 : vector<1x2048x16xf32> to vector<2048x16xf32>
    %get3A_49 = arith.constant 0 : index
    %get3A_50 = arith.constant 0 : index
    %get3A_51 = vector.load %arg5[%get3A_49, %get3A_50] : memref<16x128xf32, #tpu.memory_space<vmem>>, vector<16x128xf32>
    %dot_general3A_52 = arith.constant dense<0.000000e+00> : vector<2048x128xf32>
    %dot_general3A_53 = tpu.matmul %reshape3A, %get3A_51, %dot_general3A_52 {dimension_numbers = #tpu.dot_dimension_numbers<[1], [0], [0], [1], [0, 0, 1, 1], [], []>, transpose_lhs_hint = false} : vector<2048x16xf32>, vector<16x128xf32>, vector<2048x128xf32> -> vector<2048x128xf32>
    %get3A_54 = arith.constant 0 : index
    %get3A_55 = arith.constant 0 : index
    %get3A_56 = vector.load %arg6[%get3A_54, %get3A_55] : memref<16x128xf32, #tpu.memory_space<vmem>>, vector<16x128xf32>
    %dot_general3A_57 = arith.constant dense<0.000000e+00> : vector<2048x128xf32>
    %dot_general3A_58 = tpu.matmul %reshape3A_48, %get3A_56, %dot_general3A_57 {dimension_numbers = #tpu.dot_dimension_numbers<[1], [0], [0], [1], [0, 0, 1, 1], [], []>, transpose_lhs_hint = false} : vector<2048x16xf32>, vector<16x128xf32>, vector<2048x128xf32> -> vector<2048x128xf32>
    %add3A_59 = arith.addf %dot_general3A_53, %dot_general3A_58 : vector<2048x128xf32>
    %get3A_60 = arith.constant 0 : index
    %get3A_61 = arith.constant 0 : index
    %get3A_62 = vector.load %arg7[%get3A_60, %get3A_61] : memref<6x128xf32, #tpu.memory_space<vmem>>, vector<6x128xf32>
    %dot_general3A_63 = arith.constant dense<0.000000e+00> : vector<2048x128xf32>
    %dot_general3A_64 = tpu.matmul %slice3A_2, %get3A_62, %dot_general3A_63 {dimension_numbers = #tpu.dot_dimension_numbers<[1], [0], [0], [1], [0, 0, 1, 1], [], []>, transpose_lhs_hint = false} : vector<2048x6xf32>, vector<6x128xf32>, vector<2048x128xf32> -> vector<2048x128xf32>
    %add3A_65 = arith.addf %add3A_59, %dot_general3A_64 : vector<2048x128xf32>
    %get3A_66 = arith.constant 0 : index
    %get3A_67 = arith.constant 0 : index
    %get3A_68 = vector.load %arg8[%get3A_66, %get3A_67] : memref<32x128xf32, #tpu.memory_space<vmem>>, vector<32x128xf32>
    %dot_general3A_69 = arith.constant dense<0.000000e+00> : vector<2048x128xf32>
    %dot_general3A_70 = tpu.matmul %mul3A_21, %get3A_68, %dot_general3A_69 {dimension_numbers = #tpu.dot_dimension_numbers<[1], [0], [0], [1], [0, 0, 1, 1], [], []>, transpose_lhs_hint = false} : vector<2048x32xf32>, vector<32x128xf32>, vector<2048x128xf32> -> vector<2048x128xf32>
    %add3A_71 = arith.addf %add3A_65, %dot_general3A_70 : vector<2048x128xf32>
    %get3A_72 = arith.constant 0 : index
    %get3A_73 = arith.constant 0 : index
    %get3A_74 = vector.load %arg9[%get3A_72, %get3A_73] : memref<32x128xf32, #tpu.memory_space<vmem>>, vector<32x128xf32>
    %dot_general3A_75 = arith.constant dense<0.000000e+00> : vector<2048x128xf32>
    %dot_general3A_76 = tpu.matmul %add3A_39, %get3A_74, %dot_general3A_75 {dimension_numbers = #tpu.dot_dimension_numbers<[1], [0], [0], [1], [0, 0, 1, 1], [], []>, transpose_lhs_hint = false} : vector<2048x32xf32>, vector<32x128xf32>, vector<2048x128xf32> -> vector<2048x128xf32>
    %add3A_77 = arith.addf %add3A_71, %dot_general3A_76 : vector<2048x128xf32>
    %get3A_78 = arith.constant 0 : index
    %get3A_79 = arith.constant 0 : index
    %get3A_80 = vector.load %arg10[%get3A_78, %get3A_79] : memref<1x128xf32, #tpu.memory_space<vmem>>, vector<1x128xf32>
    %add3A_81 = vector.broadcast %get3A_80 : vector<1x128xf32> to vector<2048x128xf32>
    %add3A_82 = arith.addf %add3A_77, %add3A_81 : vector<2048x128xf32>
    %get3A_83 = arith.constant 0 : index
    %get3A_84 = arith.constant 0 : index
    %get3A_85 = vector.load %arg11[%get3A_83, %get3A_84] : memref<128x128xf32, #tpu.memory_space<vmem>>, vector<128x128xf32>
    %dot_general3A_86 = arith.constant dense<0.000000e+00> : vector<2048x128xf32>
    %dot_general3A_87 = tpu.matmul %add3A_82, %get3A_85, %dot_general3A_86 {dimension_numbers = #tpu.dot_dimension_numbers<[1], [0], [0], [1], [0, 0, 1, 1], [], []>, transpose_lhs_hint = false} : vector<2048x128xf32>, vector<128x128xf32>, vector<2048x128xf32> -> vector<2048x128xf32>
    %mul3A_88 = arith.mulf %dot_general3A_87, %dot_general3A_87 : vector<2048x128xf32>
    %reduce_sum3A = arith.constant dense<0.000000e+00> : vector<2048xf32>
    %reduce_sum3A_89 = vector.multi_reduction <add>, %mul3A_88, %reduce_sum3A [1] : vector<2048x128xf32> to vector<2048xf32>
    %broadcast_in_dim3A = vector.shape_cast %reduce_sum3A_89 : vector<2048xf32> to vector<2048x1xf32>
    %div3A = arith.constant 1.280000e+02 : f32
    %div3A_90 = vector.broadcast %div3A : f32 to vector<2048x1xf32>
    %div3A_91 = arith.divf %broadcast_in_dim3A, %div3A_90 : vector<2048x1xf32>
    %add3A_92 = arith.constant 9.99999974E-6 : f32
    %add3A_93 = vector.broadcast %add3A_92 : f32 to vector<2048x1xf32>
    %add3A_94 = arith.addf %div3A_91, %add3A_93 : vector<2048x1xf32>
    %rsqrt3A = math.rsqrt %add3A_94 : vector<2048x1xf32>
    %mul3A_95 = vector.broadcast %rsqrt3A : vector<2048x1xf32> to vector<2048x128xf32>
    %mul3A_96 = arith.mulf %dot_general3A_87, %mul3A_95 : vector<2048x128xf32>
    %get3A_97 = arith.constant 0 : index
    %get3A_98 = arith.constant 0 : index
    %get3A_99 = vector.load %arg12[%get3A_97, %get3A_98] : memref<1x128xf32, #tpu.memory_space<vmem>>, vector<1x128xf32>
    %mul3A_100 = vector.broadcast %get3A_99 : vector<1x128xf32> to vector<2048x128xf32>
    %mul3A_101 = arith.mulf %mul3A_96, %mul3A_100 : vector<2048x128xf32>
    %get3A_102 = arith.constant 0 : index
    %get3A_103 = arith.constant 0 : index
    %get3A_104 = vector.load %arg13[%get3A_102, %get3A_103] : memref<1x128xf32, #tpu.memory_space<vmem>>, vector<1x128xf32>
    %add3A_105 = vector.broadcast %get3A_104 : vector<1x128xf32> to vector<2048x128xf32>
    %add3A_106 = arith.addf %mul3A_101, %add3A_105 : vector<2048x128xf32>
    %mul3A_107 = vector.broadcast %slice3A : vector<2048x1xf32> to vector<2048x128xf32>
    %mul3A_108 = arith.mulf %add3A_106, %mul3A_107 : vector<2048x128xf32>
    %swap3A = arith.constant 0 : index
    %swap3A_109 = arith.constant 0 : index
    %swap3A_110 = vector.load %arg14[%swap3A, %swap3A_109] : memref<2048x128xf32, #tpu.memory_space<vmem>>, vector<2048x128xf32>
    tpu.vector_store %arg14[%swap3A, %swap3A_109], %mul3A_108 {strides = array<i32>} : memref<2048x128xf32, #tpu.memory_space<vmem>>, vector<2048x128xf32>,
    return
  }
  func.func @transform_0(%arg0: i32) -> (i32, i32, i32) {
    %c0_i32 = arith.constant 0 : i32
    %c0_i32_0 = arith.constant 0 : i32
    %c0_i32_1 = arith.constant 0 : i32
    return %c0_i32, %arg0, %c0_i32_0 : i32, i32, i32
  }
  func.func @transform_1(%arg0: i32) -> (i32, i32, i32) {
    %c1_i32 = arith.constant 1 : i32
    %c0_i32 = arith.constant 0 : i32
    %c0_i32_0 = arith.constant 0 : i32
    return %c1_i32, %arg0, %c0_i32 : i32, i32, i32
  }
  func.func @transform_2(%arg0: i32) -> (i32, i32) {
    %c0_i32 = arith.constant 0 : i32
    %c0_i32_0 = arith.constant 0 : i32
    return %c0_i32, %arg0 : i32, i32
  }
  func.func @transform_3(%arg0: i32) -> (i32, i32) {
    %c0_i32 = arith.constant 0 : i32
    %c0_i32_0 = arith.constant 0 : i32
    %c0_i32_1 = arith.constant 0 : i32
    return %c0_i32, %c0_i32_0 : i32, i32
  }
  func.func @transform_4(%arg0: i32) -> (i32, i32) {
    %c0_i32 = arith.constant 0 : i32
    %c0_i32_0 = arith.constant 0 : i32
    %c0_i32_1 = arith.constant 0 : i32
    return %c0_i32, %c0_i32_0 : i32, i32
  }
  func.func @transform_5(%arg0: i32) -> (i32, i32) {
    %c0_i32 = arith.constant 0 : i32
    %c0_i32_0 = arith.constant 0 : i32
    %c0_i32_1 = arith.constant 0 : i32
    return %c0_i32, %c0_i32_0 : i32, i32
  }
  func.func @transform_6(%arg0: i32) -> (i32, i32) {
    %c0_i32 = arith.constant 0 : i32
    %c0_i32_0 = arith.constant 0 : i32
    %c0_i32_1 = arith.constant 0 : i32
    return %c0_i32, %c0_i32_0 : i32, i32
  }
  func.func @transform_7(%arg0: i32) -> (i32, i32) {
    %c0_i32 = arith.constant 0 : i32
    %c0_i32_0 = arith.constant 0 : i32
    %c0_i32_1 = arith.constant 0 : i32
    return %c0_i32, %c0_i32_0 : i32, i32
  }
  func.func @transform_8(%arg0: i32) -> (i32, i32) {
    %c0_i32 = arith.constant 0 : i32
    %c0_i32_0 = arith.constant 0 : i32
    %c0_i32_1 = arith.constant 0 : i32
    return %c0_i32, %c0_i32_0 : i32, i32
  }
  func.func @transform_9(%arg0: i32) -> (i32, i32) {
    %c0_i32 = arith.constant 0 : i32
    %c0_i32_0 = arith.constant 0 : i32
    %c0_i32_1 = arith.constant 0 : i32
    return %c0_i32, %c0_i32_0 : i32, i32
  }
  func.func @transform_10(%arg0: i32) -> (i32, i32) {
    %c0_i32 = arith.constant 0 : i32
    %c0_i32_0 = arith.constant 0 : i32
    %c0_i32_1 = arith.constant 0 : i32
    return %c0_i32, %c0_i32_0 : i32, i32
  }
  func.func @transform_11(%arg0: i32) -> (i32, i32) {
    %c0_i32 = arith.constant 0 : i32
    %c0_i32_0 = arith.constant 0 : i32
    %c0_i32_1 = arith.constant 0 : i32
    return %c0_i32, %c0_i32_0 : i32, i32
  }
  func.func @transform_12(%arg0: i32) -> (i32, i32) {
    %c0_i32 = arith.constant 0 : i32
    %c0_i32_0 = arith.constant 0 : i32
    %c0_i32_1 = arith.constant 0 : i32
    return %c0_i32, %c0_i32_0 : i32, i32
  }
  func.func @transform_13(%arg0: i32) -> (i32, i32) {
    %c0_i32 = arith.constant 0 : i32
    %c0_i32_0 = arith.constant 0 : i32
    return %arg0, %c0_i32 : i32, i32
  }
}

</mosaic_0001>

<sc_bundles>
// kernel: kernel.4.cloned.1.call-start
scs
__scs_entry_jumppad:
0x0: {  	(pc) =	sbr.rel $0x88, $3  }
0x1: {  	(tag) =	ssettag $0x0;
	lr =	simm.s32 $0x1  }
0x2: {  	[smem:$0x3F90] =	sst lr;
	_ =	strace $0xD0000000  }
0x3: {  	_ = 	snop  }
0x4: {  	_ = 	snop  }
0x5: {  	_ = 	snop  }
0x6: {  	_ = 	snop  }
0x7: {  	_ = 	snop  }
__scs_overlays_trampoline_lowered:
0x8: {  	[smem:$0x3F9F] =	sst s0  }
0x9: {  	[smem:$0x3FA0] =	sst s1  }
0xa: {  	[smem:$0x3FA1] =	sst s2  }
0xb: {  	[smem:$0x3FA2] =	sst s3  }
0xc: {  	[smem:$0x3FA3] =	sst s4  }
0xd: {  	[smem:$0x3FA4] =	sst s5  }
0xe: {  	[smem:$0x3FA5] =	sst s6  }
0xf: {  	[smem:$0x3FA6] =	sst s7  }
0x10: {  	[smem:$0x3FA7] =	sst s8  }
0x11: {  	[smem:$0x3FA8] =	sst s9;
	s0 =	simm.s32 @!p0 $0x0  }
0x12: {  	s1 =	sld [smem:$0x3F8E];
	s0 =	simm.s32 @p0 $0x1  }
0x13: {  	[smem:$0x3FA9] =	sst s0;
	s0 =	simm.s32 @!p1 $0x0  }
0x14: {  	s2 =	sld [smem:$0x3F8D];
	s0 =	simm.s32 @p1 $0x1  }
0x15: {  	[smem:$0x3FAA] =	sst s0;
	s0 =	simm.s32 @!p2 $0x0  }
0x16: {  	s3 =	sld [smem:$0x3FDB];
	s0 =	simm.s32 @p2 $0x1  }
0x17: {  	s4 =	simm.s32 $0x1BF5;
	[smem:$0x3FAC] =	sst s0  }
0x18: {  	s0 =	sld [smem:$0x3F8F];
	_ =	swait.ge [sflag:s4], $0x0  }
0x19: {  	s7 =	sld [smem:$0x3F90]  }
0x1a: {  	s8 =	sadd.s32 $0xFFFFE003, lr  }
0x1b: {  	s9 =	sadd.s32 $0xFFFFFEF7, lr;
	s5 =	simm.s32 $0xFFFFFFFF;
	p2 =	slt.u32 s8, $0xFFFFF086  }
0x1c: {  	p1 =	slt.u32 s9, $0xF7A;
	s5 =	simm.s32 @!p2 $0x0  }
0x1d: {  	s5 =	simm.s32 @p1 $0x1;
	p0 =	seq.s32 s7, s2  }
0x1e: {  	s7 =	smul.u32 @!p0 $0xF7A, s2;
	p2 =	seq.s32 @!p0 s5, $0x0  }
0x1f: {  	s9 =	smul.u32 $0xF7A, s1;
	s8 =	simm.s32 @!p0 $0x1BF5;
	p2 =	por !p2, p0  }
0x20: {  	[sflag:s8] =	ssyncset.s32 @!p0 $0xFFFFF086;
	s6 =	sadd.s32 @!p0 s3, s7;
	s7 =	simm.s32 @!p0 $0x108  }
0x21: {  	s3 =	sadd.s32 s3, s9;
	s6 =	sadd.s32 @!p0 $0x88, s6;
	s7 =	simm.s32 @p2 $0x1082  }
0x22: {  	[simem:s7], [sflag:s8] =	dma.local @!p0 [hbm:s6], $0xF7A  }
0x23: {  	s9 =	sor.u32 $0xD0000000, s2;
	s6 =	simm.s32 $0x108;
	_ =	swait.ge @!p0 [sflag:s8], $0x0  }
0x24: {  	s3 =	sadd.s32 $0x88, s3;
	s6 =	simm.s32 @!p1 $0x1082;
	[sflag:s4] =	ssyncset.s32 $0xFFFFF086  }
0x25: {  	[simem:s6], [sflag:s4] =	dma.local [hbm:s3], $0xF7A  }
0x26: {  	[smem:$0x3F90] =	sst s1;
	(tag) =	ssettag s2;
	_ =	strace s9  }
0x27: {  	s1 =	sld [smem:$0x3FA0]  }
0x28: {  	s2 =	sld [smem:$0x3FA1]  }
0x29: {  	s4 =	sld [smem:$0x3FA3]  }
0x2a: {  	p0 =	seq.s32 s5, $0x0;
	s5 =	sld [smem:$0x3FA4]  }
0x2b: {  	s6 =	sld [smem:$0x3FA5]  }
0x2c: {  	s7 =	sld [smem:$0x3FA6]  }
0x2d: {  	s3 =	simm.s32 $0x108;
	s8 =	sld [smem:$0x3FA7]  }
0x2e: {  	s3 =	simm.s32 @!p0 $0x1082;
	s9 =	sld [smem:$0x3FA8]  }
0x2f: {  	lr =	sadd.s32 s0, s3;
	s0 =	sld [smem:$0x3F9F]  }
0x30: {  	s3 =	sld [smem:$0x3FA2]  }
0x31: {  	[smem:$0x3FAB] =	sst s10  }
0x32: {  	s10 =	sld [smem:$0x3FA9];
	_ =	sdelay $0x3  }
0x33: {  	p0 =	seq.s32 s10, $0x1;
	s10 =	sld [smem:$0x3FAB];
	_ =	sdelay $0x3  }
0x34: {  	[smem:$0x3FAB] =	sst s10  }
0x35: {  	s10 =	sld [smem:$0x3FAA];
	_ =	sdelay $0x3  }
0x36: {  	p1 =	seq.s32 s10, $0x1;
	s10 =	sld [smem:$0x3FAB];
	_ =	sdelay $0x3  }
0x37: {  	[smem:$0x3FAB] =	sst s10  }
0x38: {  	s10 =	sld [smem:$0x3FAC]  }
0x39: {  	_ = 	snop;
	(pc) =	sbr.ind lr, $3  }
0x3a: {  	_ = 	snop  }
0x3b: {  	_ = 	snop  }
0x3c: {  	p2 =	seq.s32 s10, $0x1;
	s10 =	sld [smem:$0x3FAB]  }
0x3d: {  	_ =	shalt  }
0x3e: {  	_ =	shalt  }
0x3f: {  	_ =	shalt  }
0x40: {  	_ =	shalt  }
0x41: {  	_ =	shalt  }
0x42: {  	_ =	shalt  }
0x43: {  	_ =	shalt  }
0x44: {  	_ =	shalt  }
0x45: {  	_ =	shalt  }
0x46: {  	_ =	shalt  }
0x47: {  	_ =	shalt  }
0x48: {  	_ =	shalt  }
0x49: {  	_ =	shalt  }
0x4a: {  	_ =	shalt  }
0x4b: {  	_ =	shalt  }
0x4c: {  	_ =	shalt  }
0x4d: {  	_ =	shalt  }
0x4e: {  	_ =	shalt  }
0x4f: {  	_ =	shalt  }
0x50: {  	_ =	shalt  }
0x51: {  	_ =	shalt  }
0x52: {  	_ =	shalt  }
0x53: {  	_ =	shalt  }
0x54: {  	_ =	shalt  }
0x55: {  	_ =	shalt  }
0x56: {  	_ =	shalt  }
0x57: {  	_ =	shalt  }
0x58: {  	_ =	shalt  }
0x59: {  	_ =	shalt  }
0x5a: {  	_ =	shalt  }
0x5b: {  	_ =	shalt  }
0x5c: {  	_ =	shalt  }
0x5d: {  	_ =	shalt  }
0x5e: {  	_ =	shalt  }
0x5f: {  	_ =	shalt  }
0x60: {  	_ =	shalt  }
0x61: {  	_ =	shalt  }
0x62: {  	_ =	shalt  }
0x63: {  	_ =	shalt  }
0x64: {  	_ =	shalt  }
0x65: {  	_ =	shalt  }
0x66: {  	_ =	shalt  }
0x67: {  	_ =	shalt  }
0x68: {  	_ =	shalt  }
0x69: {  	_ =	shalt  }
0x6a: {  	_ =	shalt  }
0x6b: {  	_ =	shalt  }
0x6c: {  	_ =	shalt  }
0x6d: {  	_ =	shalt  }
0x6e: {  	_ =	shalt  }
0x6f: {  	_ =	shalt  }
0x70: {  	_ =	shalt  }
0x71: {  	_ =	shalt  }
0x72: {  	_ =	shalt  }
0x73: {  	_ =	shalt  }
0x74: {  	_ =	shalt  }
0x75: {  	_ =	shalt  }
0x76: {  	_ =	shalt  }
0x77: {  	_ =	shalt  }
0x78: {  	_ =	shalt  }
0x79: {  	_ =	shalt  }
0x7a: {  	_ =	shalt  }
0x7b: {  	_ =	shalt  }
0x7c: {  	_ =	shalt  }
0x7d: {  	_ =	shalt  }
0x7e: {  	_ =	shalt  }
0x7f: {  	_ =	shalt  }
0x80: {  	_ =	shalt  }
0x81: {  	_ =	shalt  }
0x82: {  	_ =	shalt  }
0x83: {  	_ =	shalt  }
0x84: {  	_ =	shalt  }
0x85: {  	_ =	shalt  }
0x86: {  	_ =	shalt  }
0x87: {  	_ =	shalt  }
.Lfunc_end0:
.L_simem_size_0:
called_computation_lowered:
.L_overlay_start_0:
0x88: {  	s2 =	sld [smem:$0x3FD9]  }
0x89: {  	s3 =	sld [smem:$0x3FFE];
	_ =	sdelay $0x1  }
0x8a: {  	s1 =	srdreg.scid  }
0x8b: {  	s0 =	sand.u32 $0x1, s1  }
0x8c: {  	s14 =	sshll.u32 s0, $0xA;
	s2 =	sadd.s32 s3, s2  }
0x8d: {  	s2 =	sadd.s32 s2, s14  }
0x8e: {  	[smem:$0x3FB7] =	sst s2  }
0x8f: {  	_ = 	snop  }
0x90: {  	s2 =	sld [smem:$0x3FD0];
	_ =	sdelay $0x2  }
0x91: {  	s15 =	simm.s32 $0xA;
	s4 =	simm.s32 $0x10  }
0x92: {  	[smem:s4], [sflag:s15] =	dma.local [hbm:s2], $0x1  }
0x93: {  	_ =	swait.eq [sflag:s15], $0x1  }
0x94: {  	[sflag:s15] =	ssyncset.done $0x0  }
0x95: {  	[sflag:s15] =	ssyncadd.s32 $0xFFFFFFFF  }
0x96: {  	s16 =	sld [smem:$0x10];
	(tm) =	ssettm $0x1  }
0x97: {  	s17 =	sld [smem:$0x3FFB];
	_ =	sdelay $0x3  }
0x98: {  	_ =	strace s17  }
0x99: {  	s3 =	sld [smem:$0x3FFC];
	_ =	sdelay $0x3  }
0x9a: {  	_ =	strace s3  }
0x9b: {  	s3 =	sld [smem:$0x3FFD];
	_ =	sdelay $0x3  }
0x9c: {  	_ =	strace s3  }
0x9d: {  	_ =	strace $0x8FFFFFFF  }
0x9e: {  	s18 =	sld [smem:$0x3FDB];
	_ =	sdelay $0x1  }
0x9f: {  	s19 =	simm.s32 $_scs_section_size  }
0xa0: {  	s5 =	simm.s32 $_size__tile_overlayer_lowered;
	s6 =	simm.s32 $_tile_overlayer_lowered  }
0xa1: {  	s22 =	simm.s32 $0x1BFF;
	s21 =	sshll.u32 s6, $0x1;
	s3 =	sadd.s32 s19, s18  }
0xa2: {  	s7 =	simm.s32 $0x0;
	s20 =	sshll.u32 s5, $0x1;
	s5 =	sadd.s32 s21, s3  }
0xa3: {  	[timem:s7], [sflag:s22] =	dma.local [hbm:s5], s20  }
0xa4: {  	_ =	swait.ge [sflag:s22], s20  }
0xa5: {  	s4 =	ssub.s32 $0x0, s20;
	[sflag:s22] =	ssyncset.done $0x0  }
0xa6: {  	[sflag:s22] =	ssyncadd.s32 s4;
	_ =	sdelay $0x1  }
0xa7: {  	s23 =	simm.s32 $0x1B8B  }
0xa8: {  	_ =	swait.ge [sflag:s23], $0x1  }
0xa9: {  	[sflag:s23] =	ssyncset.done $0x0  }
0xaa: {  	s25 =	simm.s32 $0x1B8E;
	s24 =	sld [smem:$0x3FFE];
	[sflag:s23] =	ssyncadd.s32 $0xFFFFFFFF  }
0xab: {  	s26 =	simm.s32 $execute0_lowered;
	[smem:$0x3FD2] =	sst s25  }
0xac: {  	s5 =	sshll.u32 s26, $0x1;
	_ =	strace $0x80000046;
	[dreg:$0x1] =	wrdreg $0xFFFFFFFF  }
0xad: {  	s28 =	simm.s32 $_size_execute0_lowered;
	s3 =	sadd.s32 s3, s5;
	[dreg:$0x0] =	wrdreg $0x0  }
0xae: {  	s5 =	sshll.u32 s28, $0x1;
	[dreg:$0x2] =	wrdreg s3  }
0xaf: {  	[dreg:$0x3] =	wrdreg s5  }
0xb0: {  	[dreg:$0x4] =	wrdreg $0xC0  }
0xb1: {  	_ =	task [dreg:s7], $0x5FFFF  }
0xb2: {  	[dreg:$0x1] =	wrdreg $0xFFFFFFFF  }
0xb3: {  	[dreg:$0x0] =	wrdreg $0x60  }
0xb4: {  	[dreg:$0x2] =	wrdreg s24  }
0xb5: {  	[dreg:$0x3] =	wrdreg s16  }
0xb6: {  	[dreg:$0x4] =	wrdreg $0x9  }
0xb7: {  	_ =	task.clear_ibuf [dreg:s7], $0x5FFFF;
	_ =	strace $0x90000046  }
0xb8: {  	s29 =	simm.s32 $0x9;
	_ =	strace $0x80000048  }
0xb9: {  	_ =	swait.ge [sflag:s29], $0x1  }
0xba: {  	[sflag:s29] =	ssyncadd.s32 $0xFFFFFFFF  }
0xbb: {  	_ =	strace $0x90000048  }
0xbc: {  	_ =	sfence  }
0xbd: {  	s30 =	sld [smem:$0x0];
	_ =	sdelay $0x2  }
0xbe: {  	s31 =	sshll.u32 s1, $0xD;
	s1 =	sshrl.u32 s1, $0x2  }
0xbf: {  	s3 =	sand.u32 $0x4000, s31;
	s1 =	sadd.s32 s1, s30  }
0xc0: {  	s0 =	sor.u32 s3, s0;
	s1 =	sshll.u32 s1, $0x11  }
0xc1: {  	s0 =	sor.u32 s1, s0  }
0xc2: {  	s0 =	sadd.s32 $0x8F2B, s0  }
0xc3: {  	[sflag:s0] =	ssyncadd.remote.s32 $0x1  }
0xc4: {  	_ =	sfence.sel $0xFFFF  }
0xc5: {  	[dreg:$0x0] =	wrdreg $0xFFFFFFFF;
	(pc) =	sbr.abs _section_cstart, $3  }
0xc6: {  	[dreg:$0x1] =	wrdreg $0xFFFFFFFF  }
0xc7: {  	_ =	task.clear_ibuf [dreg:s7], $0x2FFFF;
	_ =	strace $0x9FFFFFFF  }
0xc8: {  	(tm) =	ssettm $0x7FFFFFFF  }
0xc9: {  	_ =	shalt  }
tec
execute0_lowered:
.L_overlay_start_1:
0x0: {  	(tag) =	ssettag $0x1  }
0x1: {  	s0 =	rddreg [dreg:$0x0];
	s1 =	srdreg.scid  }
0x2: {  	s8 =	stileid.u32;
	s7 =	rddreg [dreg:$0x1];
	s2 =	simm.s32 $0x0  }
0x3: {  	s10 =	simm.s32 $0x80;
	s13 =	simm.s32 $0x1;
	s14 =	simm.s32 $0xE400  }
0x4: {  	s15 =	simm.s32 $0x2;
	s16 =	simm.s32 $0x12400;
	s17 =	simm.s32 $0x3  }
0x5: {  	s18 =	simm.s32 $0x4;
	s1 =	sand.u32 $0x1, s1;
	s3 =	sshll.u32 s8, $0x1  }
0x6: {  	[smem:$0x7FF] =	sst s2;
	p0 =	slt.u32 s8, $0x8;
	s3 =	sor.u32 s1, s3  }
0x7: {  	s5 =	sadd.s32 $0x33A00, s0;
	s1 =	ssub.s32 $0x2, s1;
	s6 =	smul.u32 $0x3200, s3  }
0x8: {  	_ =	strace $0x80000047;
	s3 =	sadd.s32 $0x2C00, s0;
	s29 =	sshrl.u32 s1, $0x1  }
0x9: {  	s0 =	ssub.s32 s1, s29;
	s4 =	sadd.s32 $0xFFFCE000, s6;
	s30 =	sshrl.u32 s6, $0x3  }
0xa: {  	s0 =	smax.u32 s0, $0x1;
	s4 =	smov.u32 @p0 s6;
	p0 =	sgt.u32 s8, $0x7  }
0xb: {  	s6 =	simm.s32 $0x1900000;
	s31 =	sadd.s32 s7, s30;
	[dreg:$0x4] =	wrdreg s0  }
0xc: {  	s1 =	simm.s32 $0x0;
	[dreg:$0x3] =	wrdreg s31;
	s6 =	simm.s32 @!p0 $0x0  }
.LBB2_1:
0xd: {  	[dreg:$0x5] =	wrdreg s1  }
0xe: {  	s0 =	rddreg [dreg:$0x3];
	s31 =	simm.s32 $0x5  }
0xf: {  	[tilespmem:s2], [sflag:$0x5] =	stream.linear.gather [hbm4b:s0+s2], $0x3200, $0x38;
	[tilespmem:$0x16400] =	vst v63  }
0x10: {  	_ =	swait.ge [sflag:s31], $0x3200  }
0x11: {  	[sflag:s31] =	ssyncset.done $0x0  }
0x12: {  	s0 =	simm.s32 $0x0;
	[sflag:s31] =	ssyncadd.s32 $0xFFFFCE00  }
0x13: {  	v0 =	vld [tilespmem:s0+$0x0];
	_ =	sdelay $0x4  }
0x14: {  	v0 =	vadd.s32 $0xFFFFFFFF, v0  }
0x15: {  	vm0 =	vgt.s32 v0, $0x0  }
0x16: {  	v0 =	vnsel vm0, $0x0, v0  }
0x17: {  	s7 =	simm.s32 $0x40;
	s1 =	simm.s32 $0x80;
	v1 =	vshrl.u32 v0, $0x3;
	v0 =	vshll.u32 v0, $0x4  }
.LBB2_2:
0x18: {  	p0 =	sne.s32 s1, $0xC7C0;
	s8 =	sshra.s32 s7, $0x2;
	[tilespmem:s0+$0x0] =	vst v1;
	v0 =	vand.u32 $0x70, v0;
	s7 =	smov.u32 s1  }
0x19: {  	v1 =	vld [tilespmem:s8+$0x0];
	[tilespmem:s0+$0x3200] =	vst v0;
	s0 =	smov.u32 s8;
	_ =	sdelay $0x3  }
.Ltmp0:
0x1a: {  	(pc) =	sbr.rel @p0 .LBB2_2-.Ltmp0, $4  }
0x1b: {  	v0 =	vadd.s32 $0xFFFFFFFF, v1  }
0x1c: {  	vm0 =	vgt.s32 v0, $0x0  }
0x1d: {  	v0 =	vnsel vm0, $0x0, v0  }
0x1e: {  	s1 =	sadd.s32 $0x40, s1;
	v1 =	vshrl.u32 v0, $0x3;
	v0 =	vshll.u32 v0, $0x4  }
0x1f: {  	s1 =	sshra.s32 s7, $0x2;
	[tilespmem:s0+$0x0] =	vst v1  }
0x20: {  	v1 =	vld [tilespmem:s1+$0x0];
	_ =	sdelay $0x4  }
0x21: {  	v1 =	vadd.s32 $0xFFFFFFFF, v1  }
0x22: {  	vm0 =	vgt.s32 v1, $0x0  }
0x23: {  	v0 =	vand.u32 $0x70, v0;
	v1 =	vnsel vm0, $0x0, v1  }
0x24: {  	[tilespmem:s0+$0x3200] =	vst v0;
	v62 =	vshrl.u32 v1, $0x3;
	v1 =	vshll.u32 v1, $0x4  }
0x25: {  	[tilespmem:s1+$0x0] =	vst v62;
	v63 =	vand.u32 $0x70, v1  }
0x26: {  	s20 =	simm.s32 $0x0;
	s21 =	simm.s32 $0x3200;
	s22 =	simm.s32 $0x3280;
	[tilespmem:s1+$0x3200] =	vst v63  }
.LBB2_4:
0x27: {  	s24 =	sshll.u32 s20, $0x8;
	s0 =	simm.s32 $0x6400  }
0x28: {  	[tilespmem:s0], [sflag:$0x1] =	stream.indirect.gather [hbm4b:s3+s10], $0x80, s24, s10, $0xb8;
	[tilespmem:$0x16400] =	vst v63  }
0x29: {  	s30 =	simm.s32 $0xA400;
	s23 =	sor.u32 $0x80, s24  }
0x2a: {  	[tilespmem:s30], [sflag:$0x2] =	stream.indirect.gather [hbm4b:s3+s10], $0x80, s23, s10, $0xb8;
	[tilespmem:$0x16400] =	vst v63  }
0x2b: {  	_ =	swait.ge [sflag:s13], $0x4000  }
0x2c: {  	[sflag:s13] =	ssyncset.done $0x0  }
0x2d: {  	[sflag:s13] =	ssyncadd.s32 $0xFFFFC000  }
0x2e: {  	v0 =	vld [tilespmem:s21+$0x0];
	_ =	sdelay $0x4  }
0x2f: {  	(v2sf) =	vpush v0, $0x0;
	_ =	sdelay $0x5  }
0x30: {  	(v2sf) =	vpush v0, $0x1;
	_ =	sdelay $0x5  }
0x31: {  	(v2sf) =	vpush v0, $0x2;
	_ =	sdelay $0x2  }
0x32: {  	s31 =	spop (v2sf)  }
0x33: {  	s1 =	sand.u32 $0x7F, s31;
	s0 =	sshll.u32 s31, $0x2  }
0x34: {  	s0 =	sand.u32 $0xFFFFFE00, s0;
	s1 =	sshll.u32 s1, $0x2  }
0x35: {  	(v2sf) =	vpush v0, $0x3;
	s0 =	sor.u32 s1, s0  }
0x36: {  	s0 =	sshra.s32 s0, $0x2  }
0x37: {  	s0 =	sadd.s32 $0x0, s0  }
0x38: {  	s7 =	spop (v2sf);
	v1 =	vld [tilespmem:s0+$0x6400]  }
0x39: {  	s8 =	sand.u32 $0x7F, s7;
	s1 =	sshll.u32 s7, $0x2  }
0x3a: {  	s1 =	sand.u32 $0xFFFFFE00, s1;
	s0 =	sshll.u32 s8, $0x2  }
0x3b: {  	(v2sf) =	vpush v0, $0x4;
	s0 =	sor.u32 s0, s1  }
0x3c: {  	s25 =	simm.s32 $0x0;
	s0 =	sshra.s32 s0, $0x2  }
0x3d: {  	s0 =	sadd.s32 $0x0, s0;
	[tilespmem:s25+$0xE400] =	vst v1  }
0x3e: {  	s9 =	spop (v2sf);
	v1 =	vld [tilespmem:s0+$0x6480]  }
0x3f: {  	s11 =	sand.u32 $0x7F, s9;
	s1 =	sshll.u32 s9, $0x2  }
0x40: {  	s1 =	sand.u32 $0xFFFFFE00, s1;
	s0 =	sshll.u32 s11, $0x2  }
0x41: {  	(v2sf) =	vpush v0, $0x5;
	s0 =	sor.u32 s0, s1  }
0x42: {  	s0 =	sshra.s32 s0, $0x2  }
0x43: {  	s0 =	sadd.s32 $0x0, s0;
	[tilespmem:s25+$0xE480] =	vst v1  }
0x44: {  	s12 =	spop (v2sf);
	v1 =	vld [tilespmem:s0+$0x6500]  }
0x45: {  	s19 =	sand.u32 $0x7F, s12;
	s1 =	sshll.u32 s12, $0x2  }
0x46: {  	s1 =	sand.u32 $0xFFFFFE00, s1;
	s0 =	sshll.u32 s19, $0x2  }
0x47: {  	(v2sf) =	vpush v0, $0x6;
	s0 =	sor.u32 s0, s1  }
0x48: {  	s0 =	sshra.s32 s0, $0x2  }
0x49: {  	s0 =	sadd.s32 $0x0, s0;
	[tilespmem:s25+$0xE500] =	vst v1  }
0x4a: {  	s26 =	spop (v2sf);
	v1 =	vld [tilespmem:s0+$0x6580]  }
0x4b: {  	s29 =	sand.u32 $0x7F, s26;
	s1 =	sshll.u32 s26, $0x2  }
0x4c: {  	s1 =	sand.u32 $0xFFFFFE00, s1;
	s0 =	sshll.u32 s29, $0x2  }
0x4d: {  	(v2sf) =	vpush v0, $0x7;
	s0 =	sor.u32 s0, s1  }
0x4e: {  	s0 =	sshra.s32 s0, $0x2  }
0x4f: {  	s0 =	sadd.s32 $0x0, s0;
	[tilespmem:s25+$0xE580] =	vst v1  }
0x50: {  	s30 =	spop (v2sf);
	v1 =	vld [tilespmem:s0+$0x6600]  }
0x51: {  	s31 =	sand.u32 $0x7F, s30;
	s1 =	sshll.u32 s30, $0x2  }
0x52: {  	s1 =	sand.u32 $0xFFFFFE00, s1;
	s0 =	sshll.u32 s31, $0x2  }
0x53: {  	(v2sf) =	vpush v0, $0x8;
	s0 =	sor.u32 s0, s1  }
0x54: {  	s0 =	sshra.s32 s0, $0x2  }
0x55: {  	s0 =	sadd.s32 $0x0, s0;
	[tilespmem:s25+$0xE600] =	vst v1  }
0x56: {  	s7 =	spop (v2sf);
	v1 =	vld [tilespmem:s0+$0x6680]  }
0x57: {  	s8 =	sand.u32 $0x7F, s7;
	s1 =	sshll.u32 s7, $0x2  }
0x58: {  	s1 =	sand.u32 $0xFFFFFE00, s1;
	s0 =	sshll.u32 s8, $0x2  }
0x59: {  	(v2sf) =	vpush v0, $0x9;
	s0 =	sor.u32 s0, s1  }
0x5a: {  	s0 =	sshra.s32 s0, $0x2  }
0x5b: {  	s0 =	sadd.s32 $0x0, s0;
	[tilespmem:s25+$0xE680] =	vst v1  }
0x5c: {  	s9 =	spop (v2sf);
	v1 =	vld [tilespmem:s0+$0x6700]  }
0x5d: {  	s11 =	sand.u32 $0x7F, s9;
	s1 =	sshll.u32 s9, $0x2  }
0x5e: {  	s1 =	sand.u32 $0xFFFFFE00, s1;
	s0 =	sshll.u32 s11, $0x2  }
0x5f: {  	(v2sf) =	vpush v0, $0xA;
	s0 =	sor.u32 s0, s1  }
0x60: {  	s0 =	sshra.s32 s0, $0x2  }
0x61: {  	s0 =	sadd.s32 $0x0, s0;
	[tilespmem:s25+$0xE700] =	vst v1  }
0x62: {  	s12 =	spop (v2sf);
	v1 =	vld [tilespmem:s0+$0x6780]  }
0x63: {  	s19 =	sand.u32 $0x7F, s12;
	s1 =	sshll.u32 s12, $0x2  }
0x64: {  	s1 =	sand.u32 $0xFFFFFE00, s1;
	s0 =	sshll.u32 s19, $0x2  }
0x65: {  	(v2sf) =	vpush v0, $0xB;
	s0 =	sor.u32 s0, s1  }
0x66: {  	s0 =	sshra.s32 s0, $0x2  }
0x67: {  	s0 =	sadd.s32 $0x0, s0;
	[tilespmem:s25+$0xE780] =	vst v1  }
0x68: {  	s26 =	spop (v2sf);
	v1 =	vld [tilespmem:s0+$0x6800]  }
0x69: {  	s29 =	sand.u32 $0x7F, s26;
	s1 =	sshll.u32 s26, $0x2  }
0x6a: {  	s1 =	sand.u32 $0xFFFFFE00, s1;
	s0 =	sshll.u32 s29, $0x2  }
0x6b: {  	(v2sf) =	vpush v0, $0xC;
	s0 =	sor.u32 s0, s1  }
0x6c: {  	s0 =	sshra.s32 s0, $0x2  }
0x6d: {  	s0 =	sadd.s32 $0x0, s0;
	[tilespmem:s25+$0xE800] =	vst v1  }
0x6e: {  	s30 =	spop (v2sf);
	v1 =	vld [tilespmem:s0+$0x6880]  }
0x6f: {  	s31 =	sand.u32 $0x7F, s30;
	s1 =	sshll.u32 s30, $0x2  }
0x70: {  	s1 =	sand.u32 $0xFFFFFE00, s1;
	s0 =	sshll.u32 s31, $0x2  }
0x71: {  	(v2sf) =	vpush v0, $0xD;
	s0 =	sor.u32 s0, s1  }
0x72: {  	s0 =	sshra.s32 s0, $0x2  }
0x73: {  	s0 =	sadd.s32 $0x0, s0;
	[tilespmem:s25+$0xE880] =	vst v1  }
0x74: {  	s7 =	spop (v2sf);
	v1 =	vld [tilespmem:s0+$0x6900]  }
0x75: {  	s8 =	sand.u32 $0x7F, s7;
	s1 =	sshll.u32 s7, $0x2  }
0x76: {  	s1 =	sand.u32 $0xFFFFFE00, s1;
	s0 =	sshll.u32 s8, $0x2  }
0x77: {  	(v2sf) =	vpush v0, $0xE;
	s0 =	sor.u32 s0, s1  }
0x78: {  	s0 =	sshra.s32 s0, $0x2  }
0x79: {  	s0 =	sadd.s32 $0x0, s0;
	[tilespmem:s25+$0xE900] =	vst v1  }
0x7a: {  	s9 =	spop (v2sf);
	v1 =	vld [tilespmem:s0+$0x6980]  }
0x7b: {  	s11 =	sand.u32 $0x7F, s9;
	s1 =	sshll.u32 s9, $0x2  }
0x7c: {  	s1 =	sand.u32 $0xFFFFFE00, s1;
	s0 =	sshll.u32 s11, $0x2  }
0x7d: {  	(v2sf) =	vpush v0, $0xF;
	s0 =	sor.u32 s0, s1  }
0x7e: {  	s0 =	sshra.s32 s0, $0x2  }
0x7f: {  	s0 =	sadd.s32 $0x0, s0;
	[tilespmem:s25+$0xE980] =	vst v1  }
0x80: {  	s12 =	spop (v2sf);
	v0 =	vld [tilespmem:s0+$0x6A00]  }
0x81: {  	s19 =	sand.u32 $0x7F, s12;
	s1 =	sshll.u32 s12, $0x2  }
0x82: {  	s1 =	sand.u32 $0xFFFFFE00, s1;
	s0 =	sshll.u32 s19, $0x2  }
0x83: {  	s0 =	sor.u32 s0, s1  }
0x84: {  	s0 =	sshra.s32 s0, $0x2  }
0x85: {  	s0 =	sadd.s32 $0x0, s0;
	[tilespmem:s25+$0xEA00] =	vst v0  }
0x86: {  	s26 =	spop (v2sf);
	v0 =	vld [tilespmem:s0+$0x6A80]  }
0x87: {  	s29 =	sand.u32 $0x7F, s26;
	s1 =	sshll.u32 s26, $0x2  }
0x88: {  	s1 =	sand.u32 $0xFFFFFE00, s1;
	s0 =	sshll.u32 s29, $0x2  }
0x89: {  	s0 =	sor.u32 s0, s1  }
0x8a: {  	s0 =	sshra.s32 s0, $0x2  }
0x8b: {  	s0 =	sadd.s32 $0x0, s0;
	[tilespmem:s25+$0xEA80] =	vst v0  }
0x8c: {  	s30 =	spop (v2sf);
	v0 =	vld [tilespmem:s0+$0x6B00]  }
0x8d: {  	s31 =	sand.u32 $0x7F, s30;
	s1 =	sshll.u32 s30, $0x2  }
0x8e: {  	s1 =	sand.u32 $0xFFFFFE00, s1;
	s0 =	sshll.u32 s31, $0x2  }
0x8f: {  	s0 =	sor.u32 s0, s1  }
0x90: {  	s0 =	sshra.s32 s0, $0x2  }
0x91: {  	s0 =	sadd.s32 $0x0, s0;
	[tilespmem:s25+$0xEB00] =	vst v0  }
0x92: {  	s28 =	smov.u32 s21;
	s26 =	simm.s32 $0x2000;
	v0 =	vld [tilespmem:s0+$0x6B80]  }
.LBB2_5:
0x93: {  	_ =	sdelay $0x2  }
0x94: {  	p0 =	sne.s32 s26, $0xE000  }
0x95: {  	s28 =	sadd.s32 $0x10, s28;
	s0 =	smov.u32 s26;
	s26 =	sadd.s32 $0x2000, s26;
	[tilespmem:s25+$0xEB80] =	vst v0  }
0x96: {  	v0 =	vld [tilespmem:s28+$0x0];
	_ =	sdelay $0x4  }
0x97: {  	(v2sf) =	vpush v0, $0x0  }
0x98: {  	(v2sf) =	vpush v0, $0x1;
	_ =	sdelay $0x2  }
0x99: {  	(v2sf) =	vpush v0, $0x2;
	_ =	sdelay $0x1  }
0x9a: {  	(v2sf) =	vpush v0, $0x3;
	_ =	sdelay $0x2  }
0x9b: {  	(v2sf) =	vpush v0, $0x4;
	_ =	sdelay $0x1  }
0x9c: {  	(v2sf) =	vpush v0, $0x5;
	_ =	sdelay $0x2  }
0x9d: {  	(v2sf) =	vpush v0, $0x6  }
0x9e: {  	s25 =	sshra.s32 s0, $0x2;
	s0 =	spop (v2sf)  }
0x9f: {  	s1 =	sand.u32 $0x7F, s0;
	s0 =	sshll.u32 s0, $0x2;
	s7 =	spop (v2sf)  }
0xa0: {  	s0 =	sand.u32 $0xFFFFFE00, s0;
	s1 =	sshll.u32 s1, $0x2;
	s8 =	sand.u32 $0x7F, s7  }
0xa1: {  	s0 =	sor.u32 s1, s0;
	s1 =	sshll.u32 s7, $0x2;
	s7 =	sshll.u32 s8, $0x2;
	(v2sf) =	vpush v0, $0x7  }
0xa2: {  	s0 =	sshra.s32 s0, $0x2;
	s1 =	sand.u32 $0xFFFFFE00, s1;
	s8 =	spop (v2sf)  }
0xa3: {  	s0 =	sadd.s32 s25, s0;
	s1 =	sor.u32 s7, s1;
	s7 =	sand.u32 $0x7F, s8;
	(v2sf) =	vpush v0, $0x8  }
0xa4: {  	v1 =	vld [tilespmem:s0+$0x6400];
	s0 =	sshll.u32 s8, $0x2;
	s8 =	spop (v2sf)  }
0xa5: {  	s7 =	sshll.u32 s7, $0x2;
	s0 =	sand.u32 $0xFFFFFE00, s0;
	s9 =	sand.u32 $0x7F, s8  }
0xa6: {  	s0 =	sor.u32 s7, s0;
	s7 =	sshll.u32 s8, $0x2;
	s8 =	sshll.u32 s9, $0x2  }
0xa7: {  	s0 =	sshra.s32 s0, $0x2;
	s7 =	sand.u32 $0xFFFFFE00, s7;
	s9 =	spop (v2sf);
	(v2sf) =	vpush v0, $0x9  }
0xa8: {  	s1 =	sshra.s32 s1, $0x2;
	s7 =	sor.u32 s8, s7;
	s8 =	sand.u32 $0x7F, s9  }
0xa9: {  	s1 =	sadd.s32 s25, s1;
	s9 =	sshll.u32 s9, $0x2;
	[tilespmem:s25+$0xE400] =	vst v1;
	s19 =	spop (v2sf)  }
0xaa: {  	s8 =	sshll.u32 s8, $0x2;
	v1 =	vld [tilespmem:s1+$0x6480];
	s1 =	sand.u32 $0xFFFFFE00, s9;
	s9 =	sand.u32 $0x7F, s19;
	(v2sf) =	vpush v0, $0xA  }
0xab: {  	s1 =	sor.u32 s8, s1;
	s8 =	sshll.u32 s19, $0x2;
	s9 =	sshll.u32 s9, $0x2  }
0xac: {  	s1 =	sshra.s32 s1, $0x2;
	s8 =	sand.u32 $0xFFFFFE00, s8;
	s19 =	spop (v2sf)  }
0xad: {  	s8 =	sor.u32 s9, s8;
	s9 =	sand.u32 $0x7F, s19;
	s19 =	sshll.u32 s19, $0x2;
	(v2sf) =	vpush v0, $0xB  }
0xae: {  	s8 =	sshra.s32 s8, $0x2;
	s19 =	sand.u32 $0xFFFFFE00, s19;
	s9 =	sshll.u32 s9, $0x2  }
0xaf: {  	s29 =	sadd.s32 s25, s0;
	[tilespmem:s25+$0xE480] =	vst v1;
	s0 =	sadd.s32 s25, s8;
	s8 =	sor.u32 s9, s19  }
0xb0: {  	v1 =	vld [tilespmem:s29+$0x6500];
	s8 =	sshra.s32 s8, $0x2;
	s9 =	spop (v2sf);
	(v2sf) =	vpush v0, $0xC  }
0xb1: {  	s29 =	sadd.s32 s25, s8;
	s8 =	sand.u32 $0x7F, s9;
	s9 =	sshll.u32 s9, $0x2  }
0xb2: {  	s9 =	sand.u32 $0xFFFFFE00, s9;
	s8 =	sshll.u32 s8, $0x2;
	s19 =	spop (v2sf)  }
0xb3: {  	s8 =	sor.u32 s8, s9;
	s9 =	sand.u32 $0x7F, s19;
	s19 =	sshll.u32 s19, $0x2;
	(v2sf) =	vpush v0, $0xD  }
0xb4: {  	s7 =	sshra.s32 s7, $0x2;
	s8 =	sshra.s32 s8, $0x2;
	s19 =	sand.u32 $0xFFFFFE00, s19  }
0xb5: {  	s7 =	sadd.s32 s25, s7;
	[tilespmem:s25+$0xE500] =	vst v1;
	s30 =	sadd.s32 s25, s8;
	s8 =	sshll.u32 s9, $0x2  }
0xb6: {  	v1 =	vld [tilespmem:s7+$0x6580];
	s7 =	sor.u32 s8, s19;
	s8 =	spop (v2sf);
	(v2sf) =	vpush v0, $0xE  }
0xb7: {  	s7 =	sshra.s32 s7, $0x2;
	s9 =	sand.u32 $0x7F, s8;
	s8 =	sshll.u32 s8, $0x2  }
0xb8: {  	s31 =	sadd.s32 s25, s7;
	s7 =	sand.u32 $0xFFFFFE00, s8;
	s8 =	sshll.u32 s9, $0x2  }
0xb9: {  	s7 =	sor.u32 s8, s7;
	s8 =	spop (v2sf);
	(v2sf) =	vpush v0, $0xF  }
0xba: {  	s7 =	sshra.s32 s7, $0x2;
	s9 =	sand.u32 $0x7F, s8;
	s8 =	sshll.u32 s8, $0x2  }
0xbb: {  	s19 =	sadd.s32 s25, s1;
	[tilespmem:s25+$0xE580] =	vst v1;
	s1 =	sadd.s32 s25, s7;
	s7 =	sand.u32 $0xFFFFFE00, s8  }
0xbc: {  	s8 =	sshll.u32 s9, $0x2;
	v0 =	vld [tilespmem:s19+$0x6600];
	s9 =	spop (v2sf)  }
0xbd: {  	s7 =	sor.u32 s8, s7;
	s8 =	sand.u32 $0x7F, s9;
	s9 =	sshll.u32 s9, $0x2  }
0xbe: {  	s7 =	sshra.s32 s7, $0x2;
	s9 =	sand.u32 $0xFFFFFE00, s9;
	s8 =	sshll.u32 s8, $0x2  }
0xbf: {  	s7 =	sadd.s32 s25, s7;
	s8 =	sor.u32 s8, s9;
	s9 =	spop (v2sf)  }
0xc0: {  	s8 =	sshra.s32 s8, $0x2;
	s19 =	sand.u32 $0x7F, s9;
	s9 =	sshll.u32 s9, $0x2  }
0xc1: {  	[tilespmem:s25+$0xE600] =	vst v0;
	s8 =	sadd.s32 s25, s8;
	s9 =	sand.u32 $0xFFFFFE00, s9;
	s19 =	sshll.u32 s19, $0x2  }
0xc2: {  	v0 =	vld [tilespmem:s0+$0x6680];
	s0 =	sor.u32 s19, s9;
	s9 =	spop (v2sf)  }
0xc3: {  	s0 =	sshra.s32 s0, $0x2;
	s19 =	sand.u32 $0x7F, s9;
	s9 =	sshll.u32 s9, $0x2  }
0xc4: {  	s0 =	sadd.s32 s25, s0;
	s9 =	sand.u32 $0xFFFFFE00, s9;
	s19 =	sshll.u32 s19, $0x2  }
0xc5: {  	s9 =	sor.u32 s19, s9;
	s19 =	spop (v2sf)  }
0xc6: {  	s9 =	sshra.s32 s9, $0x2;
	s11 =	sand.u32 $0x7F, s19;
	s19 =	sshll.u32 s19, $0x2  }
0xc7: {  	[tilespmem:s25+$0xE680] =	vst v0;
	s9 =	sadd.s32 s25, s9;
	s19 =	sand.u32 $0xFFFFFE00, s19;
	s11 =	sshll.u32 s11, $0x2  }
0xc8: {  	v0 =	vld [tilespmem:s29+$0x6700];
	s11 =	sor.u32 s11, s19;
	s19 =	spop (v2sf)  }
0xc9: {  	s11 =	sshra.s32 s11, $0x2;
	s12 =	sand.u32 $0x7F, s19;
	s19 =	sshll.u32 s19, $0x2  }
0xca: {  	s29 =	sadd.s32 s25, s11;
	s11 =	sand.u32 $0xFFFFFE00, s19;
	s12 =	sshll.u32 s12, $0x2  }
0xcb: {  	s11 =	sor.u32 s12, s11  }
0xcc: {  	s11 =	sshra.s32 s11, $0x2  }
0xcd: {  	[tilespmem:s25+$0xE700] =	vst v0;
	s19 =	sadd.s32 s25, s11  }
0xce: {  	v0 =	vld [tilespmem:s30+$0x6780];
	_ =	sdelay $0x4  }
0xcf: {  	[tilespmem:s25+$0xE780] =	vst v0  }
0xd0: {  	v0 =	vld [tilespmem:s31+$0x6800];
	_ =	sdelay $0x4  }
0xd1: {  	[tilespmem:s25+$0xE800] =	vst v0  }
0xd2: {  	v0 =	vld [tilespmem:s1+$0x6880];
	_ =	sdelay $0x4  }
0xd3: {  	[tilespmem:s25+$0xE880] =	vst v0  }
0xd4: {  	v0 =	vld [tilespmem:s7+$0x6900];
	_ =	sdelay $0x4  }
0xd5: {  	[tilespmem:s25+$0xE900] =	vst v0  }
0xd6: {  	v0 =	vld [tilespmem:s8+$0x6980];
	_ =	sdelay $0x4  }
0xd7: {  	[tilespmem:s25+$0xE980] =	vst v0  }
0xd8: {  	v0 =	vld [tilespmem:s0+$0x6A00];
	_ =	sdelay $0x4  }
0xd9: {  	[tilespmem:s25+$0xEA00] =	vst v0  }
0xda: {  	v0 =	vld [tilespmem:s9+$0x6A80];
	_ =	sdelay $0x4  }
0xdb: {  	[tilespmem:s25+$0xEA80] =	vst v0  }
0xdc: {  	v0 =	vld [tilespmem:s29+$0x6B00];
	_ =	sdelay $0x1  }
.Ltmp1:
0xdd: {  	(pc) =	sbr.rel @p0 .LBB2_5-.Ltmp1, $3  }
0xde: {  	_ =	sdelay $0x1  }
0xdf: {  	[tilespmem:s25+$0xEB00] =	vst v0  }
0xe0: {  	v0 =	vld [tilespmem:s19+$0x6B80]  }
0xe1: {  	s0 =	sadd.s32 s4, s24  }
0xe2: {  	s0 =	sshll.u32 s0, $0x7  }
0xe3: {  	s0 =	sadd.s32 s6, s0  }
0xe4: {  	s0 =	sshrl.u32 s0, $0x3  }
0xe5: {  	s1 =	simm.s32 $0x0;
	[tilespmem:s25+$0xEB80] =	vst v0;
	s0 =	sadd.s32 s5, s0  }
0xe6: {  	[hbm4b:s0+s1] =	stream.linear.scatter [tilespmem:s14], [sflag:$0x3], $0x4000, $0x38;
	[tilespmem:$0x16400] =	vst v63  }
0xe7: {  	_ =	swait.ge [sflag:s15], $0x4000  }
0xe8: {  	[sflag:s15] =	ssyncset.done $0x0  }
0xe9: {  	[sflag:s15] =	ssyncadd.s32 $0xFFFFC000  }
0xea: {  	v0 =	vld [tilespmem:s22+$0x0];
	_ =	sdelay $0x4  }
0xeb: {  	(v2sf) =	vpush v0, $0x0;
	_ =	sdelay $0x5  }
0xec: {  	(v2sf) =	vpush v0, $0x1;
	_ =	sdelay $0x5  }
0xed: {  	(v2sf) =	vpush v0, $0x2;
	_ =	sdelay $0x2  }
0xee: {  	s19 =	spop (v2sf)  }
0xef: {  	s24 =	sand.u32 $0x7F, s19;
	s0 =	sshll.u32 s19, $0x2  }
0xf0: {  	s0 =	sand.u32 $0xFFFFFE00, s0;
	s1 =	sshll.u32 s24, $0x2  }
0xf1: {  	(v2sf) =	vpush v0, $0x3;
	s0 =	sor.u32 s1, s0  }
0xf2: {  	s0 =	sshra.s32 s0, $0x2  }
0xf3: {  	s0 =	sadd.s32 $0x0, s0  }
0xf4: {  	s25 =	spop (v2sf);
	v1 =	vld [tilespmem:s0+$0xA400]  }
0xf5: {  	s26 =	sand.u32 $0x7F, s25;
	s1 =	sshll.u32 s25, $0x2  }
0xf6: {  	s1 =	sand.u32 $0xFFFFFE00, s1;
	s0 =	sshll.u32 s26, $0x2  }
0xf7: {  	(v2sf) =	vpush v0, $0x4;
	s0 =	sor.u32 s0, s1  }
0xf8: {  	s24 =	simm.s32 $0x0;
	s0 =	sshra.s32 s0, $0x2  }
0xf9: {  	s0 =	sadd.s32 $0x0, s0;
	[tilespmem:s24+$0x12400] =	vst v1  }
0xfa: {  	s28 =	spop (v2sf);
	v1 =	vld [tilespmem:s0+$0xA480]  }
0xfb: {  	s29 =	sand.u32 $0x7F, s28;
	s1 =	sshll.u32 s28, $0x2  }
0xfc: {  	s1 =	sand.u32 $0xFFFFFE00, s1;
	s0 =	sshll.u32 s29, $0x2  }
0xfd: {  	(v2sf) =	vpush v0, $0x5;
	s0 =	sor.u32 s0, s1  }
0xfe: {  	s0 =	sshra.s32 s0, $0x2  }
0xff: {  	s0 =	sadd.s32 $0x0, s0;
	[tilespmem:s24+$0x12480] =	vst v1  }
0x100: {  	s30 =	spop (v2sf);
	v1 =	vld [tilespmem:s0+$0xA500]  }
0x101: {  	s31 =	sand.u32 $0x7F, s30;
	s1 =	sshll.u32 s30, $0x2  }
0x102: {  	s1 =	sand.u32 $0xFFFFFE00, s1;
	s0 =	sshll.u32 s31, $0x2  }
0x103: {  	(v2sf) =	vpush v0, $0x6;
	s0 =	sor.u32 s0, s1  }
0x104: {  	s0 =	sshra.s32 s0, $0x2  }
0x105: {  	s0 =	sadd.s32 $0x0, s0;
	[tilespmem:s24+$0x12500] =	vst v1  }
0x106: {  	s7 =	spop (v2sf);
	v1 =	vld [tilespmem:s0+$0xA580]  }
0x107: {  	s8 =	sand.u32 $0x7F, s7;
	s1 =	sshll.u32 s7, $0x2  }
0x108: {  	s1 =	sand.u32 $0xFFFFFE00, s1;
	s0 =	sshll.u32 s8, $0x2  }
0x109: {  	(v2sf) =	vpush v0, $0x7;
	s0 =	sor.u32 s0, s1  }
0x10a: {  	s0 =	sshra.s32 s0, $0x2  }
0x10b: {  	s0 =	sadd.s32 $0x0, s0;
	[tilespmem:s24+$0x12580] =	vst v1  }
0x10c: {  	s9 =	spop (v2sf);
	v1 =	vld [tilespmem:s0+$0xA600]  }
0x10d: {  	s11 =	sand.u32 $0x7F, s9;
	s1 =	sshll.u32 s9, $0x2  }
0x10e: {  	s1 =	sand.u32 $0xFFFFFE00, s1;
	s0 =	sshll.u32 s11, $0x2  }
0x10f: {  	(v2sf) =	vpush v0, $0x8;
	s0 =	sor.u32 s0, s1  }
0x110: {  	s0 =	sshra.s32 s0, $0x2  }
0x111: {  	s0 =	sadd.s32 $0x0, s0;
	[tilespmem:s24+$0x12600] =	vst v1  }
0x112: {  	s12 =	spop (v2sf);
	v1 =	vld [tilespmem:s0+$0xA680]  }
0x113: {  	s19 =	sand.u32 $0x7F, s12;
	s1 =	sshll.u32 s12, $0x2  }
0x114: {  	s1 =	sand.u32 $0xFFFFFE00, s1;
	s0 =	sshll.u32 s19, $0x2  }
0x115: {  	(v2sf) =	vpush v0, $0x9;
	s0 =	sor.u32 s0, s1  }
0x116: {  	s0 =	sshra.s32 s0, $0x2  }
0x117: {  	s0 =	sadd.s32 $0x0, s0;
	[tilespmem:s24+$0x12680] =	vst v1  }
0x118: {  	s25 =	spop (v2sf);
	v1 =	vld [tilespmem:s0+$0xA700]  }
0x119: {  	s26 =	sand.u32 $0x7F, s25;
	s1 =	sshll.u32 s25, $0x2  }
0x11a: {  	s1 =	sand.u32 $0xFFFFFE00, s1;
	s0 =	sshll.u32 s26, $0x2  }
0x11b: {  	(v2sf) =	vpush v0, $0xA;
	s0 =	sor.u32 s0, s1  }
0x11c: {  	s0 =	sshra.s32 s0, $0x2  }
0x11d: {  	s0 =	sadd.s32 $0x0, s0;
	[tilespmem:s24+$0x12700] =	vst v1  }
0x11e: {  	s28 =	spop (v2sf);
	v1 =	vld [tilespmem:s0+$0xA780]  }
0x11f: {  	s29 =	sand.u32 $0x7F, s28;
	s1 =	sshll.u32 s28, $0x2  }
0x120: {  	s1 =	sand.u32 $0xFFFFFE00, s1;
	s0 =	sshll.u32 s29, $0x2  }
0x121: {  	(v2sf) =	vpush v0, $0xB;
	s0 =	sor.u32 s0, s1  }
0x122: {  	s0 =	sshra.s32 s0, $0x2  }
0x123: {  	s0 =	sadd.s32 $0x0, s0;
	[tilespmem:s24+$0x12780] =	vst v1  }
0x124: {  	s30 =	spop (v2sf);
	v1 =	vld [tilespmem:s0+$0xA800]  }
0x125: {  	s31 =	sand.u32 $0x7F, s30;
	s1 =	sshll.u32 s30, $0x2  }
0x126: {  	s1 =	sand.u32 $0xFFFFFE00, s1;
	s0 =	sshll.u32 s31, $0x2  }
0x127: {  	(v2sf) =	vpush v0, $0xC;
	s0 =	sor.u32 s0, s1  }
0x128: {  	s0 =	sshra.s32 s0, $0x2  }
0x129: {  	s0 =	sadd.s32 $0x0, s0;
	[tilespmem:s24+$0x12800] =	vst v1  }
0x12a: {  	s7 =	spop (v2sf);
	v1 =	vld [tilespmem:s0+$0xA880]  }
0x12b: {  	s8 =	sand.u32 $0x7F, s7;
	s1 =	sshll.u32 s7, $0x2  }
0x12c: {  	s1 =	sand.u32 $0xFFFFFE00, s1;
	s0 =	sshll.u32 s8, $0x2  }
0x12d: {  	(v2sf) =	vpush v0, $0xD;
	s0 =	sor.u32 s0, s1  }
0x12e: {  	s0 =	sshra.s32 s0, $0x2  }
0x12f: {  	s0 =	sadd.s32 $0x0, s0;
	[tilespmem:s24+$0x12880] =	vst v1  }
0x130: {  	s9 =	spop (v2sf);
	v1 =	vld [tilespmem:s0+$0xA900]  }
0x131: {  	s11 =	sand.u32 $0x7F, s9;
	s1 =	sshll.u32 s9, $0x2  }
0x132: {  	s1 =	sand.u32 $0xFFFFFE00, s1;
	s0 =	sshll.u32 s11, $0x2  }
0x133: {  	(v2sf) =	vpush v0, $0xE;
	s0 =	sor.u32 s0, s1  }
0x134: {  	s0 =	sshra.s32 s0, $0x2  }
0x135: {  	s0 =	sadd.s32 $0x0, s0;
	[tilespmem:s24+$0x12900] =	vst v1  }
0x136: {  	s12 =	spop (v2sf);
	v1 =	vld [tilespmem:s0+$0xA980]  }
0x137: {  	s19 =	sand.u32 $0x7F, s12;
	s1 =	sshll.u32 s12, $0x2  }
0x138: {  	s1 =	sand.u32 $0xFFFFFE00, s1;
	s0 =	sshll.u32 s19, $0x2  }
0x139: {  	(v2sf) =	vpush v0, $0xF;
	s0 =	sor.u32 s0, s1  }
0x13a: {  	s0 =	sshra.s32 s0, $0x2  }
0x13b: {  	s0 =	sadd.s32 $0x0, s0;
	[tilespmem:s24+$0x12980] =	vst v1  }
0x13c: {  	s25 =	spop (v2sf);
	v0 =	vld [tilespmem:s0+$0xAA00]  }
0x13d: {  	s26 =	sand.u32 $0x7F, s25;
	s1 =	sshll.u32 s25, $0x2  }
0x13e: {  	s1 =	sand.u32 $0xFFFFFE00, s1;
	s0 =	sshll.u32 s26, $0x2  }
0x13f: {  	s0 =	sor.u32 s0, s1  }
0x140: {  	s0 =	sshra.s32 s0, $0x2  }
0x141: {  	s0 =	sadd.s32 $0x0, s0;
	[tilespmem:s24+$0x12A00] =	vst v0  }
0x142: {  	s28 =	spop (v2sf);
	v0 =	vld [tilespmem:s0+$0xAA80]  }
0x143: {  	s29 =	sand.u32 $0x7F, s28;
	s1 =	sshll.u32 s28, $0x2  }
0x144: {  	s1 =	sand.u32 $0xFFFFFE00, s1;
	s0 =	sshll.u32 s29, $0x2  }
0x145: {  	s0 =	sor.u32 s0, s1  }
0x146: {  	s0 =	sshra.s32 s0, $0x2  }
0x147: {  	s0 =	sadd.s32 $0x0, s0;
	[tilespmem:s24+$0x12A80] =	vst v0  }
0x148: {  	s30 =	spop (v2sf);
	v0 =	vld [tilespmem:s0+$0xAB00]  }
0x149: {  	s31 =	sand.u32 $0x7F, s30;
	s1 =	sshll.u32 s30, $0x2  }
0x14a: {  	s1 =	sand.u32 $0xFFFFFE00, s1;
	s0 =	sshll.u32 s31, $0x2  }
0x14b: {  	s0 =	sor.u32 s0, s1  }
0x14c: {  	s0 =	sshra.s32 s0, $0x2  }
0x14d: {  	s0 =	sadd.s32 $0x0, s0;
	[tilespmem:s24+$0x12B00] =	vst v0  }
0x14e: {  	s25 =	simm.s32 $0x2000;
	s26 =	smov.u32 s22;
	v0 =	vld [tilespmem:s0+$0xAB80]  }
.LBB2_7:
0x14f: {  	_ =	sdelay $0x2  }
0x150: {  	p0 =	sne.s32 s25, $0xE000  }
0x151: {  	s26 =	sadd.s32 $0x10, s26;
	s0 =	smov.u32 s25;
	s25 =	sadd.s32 $0x2000, s25;
	[tilespmem:s24+$0x12B80] =	vst v0  }
0x152: {  	v0 =	vld [tilespmem:s26+$0x0];
	_ =	sdelay $0x4  }
0x153: {  	(v2sf) =	vpush v0, $0x0  }
0x154: {  	(v2sf) =	vpush v0, $0x1;
	_ =	sdelay $0x2  }
0x155: {  	(v2sf) =	vpush v0, $0x2;
	_ =	sdelay $0x1  }
0x156: {  	(v2sf) =	vpush v0, $0x3;
	_ =	sdelay $0x2  }
0x157: {  	(v2sf) =	vpush v0, $0x4;
	_ =	sdelay $0x1  }
0x158: {  	(v2sf) =	vpush v0, $0x5;
	_ =	sdelay $0x2  }
0x159: {  	(v2sf) =	vpush v0, $0x6  }
0x15a: {  	s24 =	sshra.s32 s0, $0x2;
	s0 =	spop (v2sf)  }
0x15b: {  	s1 =	sand.u32 $0x7F, s0;
	s0 =	sshll.u32 s0, $0x2;
	s7 =	spop (v2sf)  }
0x15c: {  	s0 =	sand.u32 $0xFFFFFE00, s0;
	s1 =	sshll.u32 s1, $0x2;
	s8 =	sand.u32 $0x7F, s7  }
0x15d: {  	s0 =	sor.u32 s1, s0;
	s1 =	sshll.u32 s7, $0x2;
	s7 =	sshll.u32 s8, $0x2;
	(v2sf) =	vpush v0, $0x7  }
0x15e: {  	s0 =	sshra.s32 s0, $0x2;
	s1 =	sand.u32 $0xFFFFFE00, s1;
	s8 =	spop (v2sf)  }
0x15f: {  	s0 =	sadd.s32 s24, s0;
	s1 =	sor.u32 s7, s1;
	s7 =	sand.u32 $0x7F, s8;
	(v2sf) =	vpush v0, $0x8  }
0x160: {  	v1 =	vld [tilespmem:s0+$0xA400];
	s0 =	sshll.u32 s8, $0x2;
	s8 =	spop (v2sf)  }
0x161: {  	s7 =	sshll.u32 s7, $0x2;
	s0 =	sand.u32 $0xFFFFFE00, s0;
	s9 =	sand.u32 $0x7F, s8  }
0x162: {  	s0 =	sor.u32 s7, s0;
	s7 =	sshll.u32 s8, $0x2;
	s8 =	sshll.u32 s9, $0x2  }
0x163: {  	s0 =	sshra.s32 s0, $0x2;
	s7 =	sand.u32 $0xFFFFFE00, s7;
	s9 =	spop (v2sf);
	(v2sf) =	vpush v0, $0x9  }
0x164: {  	s1 =	sshra.s32 s1, $0x2;
	s7 =	sor.u32 s8, s7;
	s8 =	sand.u32 $0x7F, s9  }
0x165: {  	s1 =	sadd.s32 s24, s1;
	s9 =	sshll.u32 s9, $0x2;
	[tilespmem:s24+$0x12400] =	vst v1;
	s11 =	spop (v2sf)  }
0x166: {  	s8 =	sshll.u32 s8, $0x2;
	v1 =	vld [tilespmem:s1+$0xA480];
	s1 =	sand.u32 $0xFFFFFE00, s9;
	s9 =	sand.u32 $0x7F, s11;
	(v2sf) =	vpush v0, $0xA  }
0x167: {  	s1 =	sor.u32 s8, s1;
	s8 =	sshll.u32 s11, $0x2;
	s9 =	sshll.u32 s9, $0x2  }
0x168: {  	s1 =	sshra.s32 s1, $0x2;
	s8 =	sand.u32 $0xFFFFFE00, s8;
	s11 =	spop (v2sf)  }
0x169: {  	s8 =	sor.u32 s9, s8;
	s9 =	sand.u32 $0x7F, s11;
	s11 =	sshll.u32 s11, $0x2;
	(v2sf) =	vpush v0, $0xB  }
0x16a: {  	s8 =	sshra.s32 s8, $0x2;
	s11 =	sand.u32 $0xFFFFFE00, s11;
	s9 =	sshll.u32 s9, $0x2  }
0x16b: {  	s12 =	sadd.s32 s24, s0;
	[tilespmem:s24+$0x12480] =	vst v1;
	s0 =	sadd.s32 s24, s8;
	s8 =	sor.u32 s9, s11  }
0x16c: {  	v1 =	vld [tilespmem:s12+$0xA500];
	s8 =	sshra.s32 s8, $0x2;
	s9 =	spop (v2sf);
	(v2sf) =	vpush v0, $0xC  }
0x16d: {  	s28 =	sadd.s32 s24, s8;
	s8 =	sand.u32 $0x7F, s9;
	s9 =	sshll.u32 s9, $0x2  }
0x16e: {  	s9 =	sand.u32 $0xFFFFFE00, s9;
	s8 =	sshll.u32 s8, $0x2;
	s11 =	spop (v2sf)  }
0x16f: {  	s8 =	sor.u32 s8, s9;
	s9 =	sand.u32 $0x7F, s11;
	s11 =	sshll.u32 s11, $0x2;
	(v2sf) =	vpush v0, $0xD  }
0x170: {  	s7 =	sshra.s32 s7, $0x2;
	s8 =	sshra.s32 s8, $0x2;
	s11 =	sand.u32 $0xFFFFFE00, s11  }
0x171: {  	s7 =	sadd.s32 s24, s7;
	[tilespmem:s24+$0x12500] =	vst v1;
	s29 =	sadd.s32 s24, s8;
	s8 =	sshll.u32 s9, $0x2  }
0x172: {  	v1 =	vld [tilespmem:s7+$0xA580];
	s7 =	sor.u32 s8, s11;
	s8 =	spop (v2sf);
	(v2sf) =	vpush v0, $0xE  }
0x173: {  	s7 =	sshra.s32 s7, $0x2;
	s9 =	sand.u32 $0x7F, s8;
	s8 =	sshll.u32 s8, $0x2  }
0x174: {  	s30 =	sadd.s32 s24, s7;
	s7 =	sand.u32 $0xFFFFFE00, s8;
	s8 =	sshll.u32 s9, $0x2  }
0x175: {  	s7 =	sor.u32 s8, s7;
	s8 =	spop (v2sf);
	(v2sf) =	vpush v0, $0xF  }
0x176: {  	s7 =	sshra.s32 s7, $0x2;
	s9 =	sand.u32 $0x7F, s8;
	s8 =	sshll.u32 s8, $0x2  }
0x177: {  	s11 =	sadd.s32 s24, s1;
	[tilespmem:s24+$0x12580] =	vst v1;
	s1 =	sadd.s32 s24, s7;
	s7 =	sand.u32 $0xFFFFFE00, s8  }
0x178: {  	s8 =	sshll.u32 s9, $0x2;
	v0 =	vld [tilespmem:s11+$0xA600];
	s9 =	spop (v2sf)  }
0x179: {  	s7 =	sor.u32 s8, s7;
	s8 =	sand.u32 $0x7F, s9;
	s9 =	sshll.u32 s9, $0x2  }
0x17a: {  	s7 =	sshra.s32 s7, $0x2;
	s9 =	sand.u32 $0xFFFFFE00, s9;
	s8 =	sshll.u32 s8, $0x2  }
0x17b: {  	s7 =	sadd.s32 s24, s7;
	s8 =	sor.u32 s8, s9;
	s9 =	spop (v2sf)  }
0x17c: {  	s8 =	sshra.s32 s8, $0x2;
	s11 =	sand.u32 $0x7F, s9;
	s9 =	sshll.u32 s9, $0x2  }
0x17d: {  	[tilespmem:s24+$0x12600] =	vst v0;
	s8 =	sadd.s32 s24, s8;
	s9 =	sand.u32 $0xFFFFFE00, s9;
	s11 =	sshll.u32 s11, $0x2  }
0x17e: {  	v0 =	vld [tilespmem:s0+$0xA680];
	s0 =	sor.u32 s11, s9;
	s9 =	spop (v2sf)  }
0x17f: {  	s0 =	sshra.s32 s0, $0x2;
	s11 =	sand.u32 $0x7F, s9;
	s9 =	sshll.u32 s9, $0x2  }
0x180: {  	s0 =	sadd.s32 s24, s0;
	s9 =	sand.u32 $0xFFFFFE00, s9;
	s11 =	sshll.u32 s11, $0x2  }
0x181: {  	s9 =	sor.u32 s11, s9;
	s11 =	spop (v2sf)  }
0x182: {  	s9 =	sshra.s32 s9, $0x2;
	s12 =	sand.u32 $0x7F, s11;
	s11 =	sshll.u32 s11, $0x2  }
0x183: {  	[tilespmem:s24+$0x12680] =	vst v0;
	s9 =	sadd.s32 s24, s9;
	s11 =	sand.u32 $0xFFFFFE00, s11;
	s12 =	sshll.u32 s12, $0x2  }
0x184: {  	v0 =	vld [tilespmem:s28+$0xA700];
	s11 =	sor.u32 s12, s11;
	s12 =	spop (v2sf)  }
0x185: {  	s11 =	sshra.s32 s11, $0x2;
	s19 =	sand.u32 $0x7F, s12;
	s12 =	sshll.u32 s12, $0x2  }
0x186: {  	s28 =	sadd.s32 s24, s11;
	s11 =	sand.u32 $0xFFFFFE00, s12;
	s12 =	sshll.u32 s19, $0x2  }
0x187: {  	s11 =	sor.u32 s12, s11  }
0x188: {  	s11 =	sshra.s32 s11, $0x2  }
0x189: {  	[tilespmem:s24+$0x12700] =	vst v0;
	s19 =	sadd.s32 s24, s11  }
0x18a: {  	v0 =	vld [tilespmem:s29+$0xA780];
	_ =	sdelay $0x4  }
0x18b: {  	[tilespmem:s24+$0x12780] =	vst v0  }
0x18c: {  	v0 =	vld [tilespmem:s30+$0xA800];
	_ =	sdelay $0x4  }
0x18d: {  	[tilespmem:s24+$0x12800] =	vst v0  }
0x18e: {  	v0 =	vld [tilespmem:s1+$0xA880];
	_ =	sdelay $0x4  }
0x18f: {  	[tilespmem:s24+$0x12880] =	vst v0  }
0x190: {  	v0 =	vld [tilespmem:s7+$0xA900];
	_ =	sdelay $0x4  }
0x191: {  	[tilespmem:s24+$0x12900] =	vst v0  }
0x192: {  	v0 =	vld [tilespmem:s8+$0xA980];
	_ =	sdelay $0x4  }
0x193: {  	[tilespmem:s24+$0x12980] =	vst v0  }
0x194: {  	v0 =	vld [tilespmem:s0+$0xAA00];
	_ =	sdelay $0x4  }
0x195: {  	[tilespmem:s24+$0x12A00] =	vst v0  }
0x196: {  	v0 =	vld [tilespmem:s9+$0xAA80];
	_ =	sdelay $0x4  }
0x197: {  	[tilespmem:s24+$0x12A80] =	vst v0  }
0x198: {  	v0 =	vld [tilespmem:s28+$0xAB00];
	_ =	sdelay $0x1  }
.Ltmp2:
0x199: {  	(pc) =	sbr.rel @p0 .LBB2_7-.Ltmp2, $3  }
0x19a: {  	_ =	sdelay $0x1  }
0x19b: {  	[tilespmem:s24+$0x12B00] =	vst v0  }
0x19c: {  	v0 =	vld [tilespmem:s19+$0xAB80]  }
0x19d: {  	s0 =	sadd.s32 s4, s23  }
0x19e: {  	s0 =	sshll.u32 s0, $0x7  }
0x19f: {  	s0 =	sadd.s32 s6, s0  }
0x1a0: {  	s0 =	sshrl.u32 s0, $0x3  }
0x1a1: {  	s20 =	sadd.s32 $0x1, s20;
	[tilespmem:s24+$0x12B80] =	vst v0;
	s0 =	sadd.s32 s5, s0  }
0x1a2: {  	[hbm4b:s0+s2] =	stream.linear.scatter [tilespmem:s16], [sflag:$0x4], $0x4000, $0x38;
	[tilespmem:$0x16400] =	vst v63  }
0x1a3: {  	p0 =	sne.s32 s20, $0x32;
	_ =	swait.ge [sflag:s17], $0x4000  }
.Ltmp3:
0x1a4: {  	[sflag:s17] =	ssyncset.done $0x0;
	(pc) =	sbr.rel @p0 .LBB2_4-.Ltmp3, $4  }
0x1a5: {  	[sflag:s17] =	ssyncadd.s32 $0xFFFFC000  }
0x1a6: {  	_ =	swait.ge [sflag:s18], $0x4000  }
0x1a7: {  	[sflag:s18] =	ssyncset.done $0x0  }
0x1a8: {  	s21 =	sadd.s32 $0x100, s21;
	s22 =	sadd.s32 $0x100, s22;
	[sflag:s18] =	ssyncadd.s32 $0xFFFFC000  }
0x1a9: {  	s1 =	rddreg [dreg:$0x5]  }
0x1aa: {  	s0 =	rddreg [dreg:$0x4];
	s1 =	sadd.s32 $0x1, s1  }
0x1ab: {  	p0 =	sne.s32 s1, s0  }
.Ltmp4:
0x1ac: {  	_ = 	snop;
	(pc) =	sbr.rel @p0 .LBB2_1-.Ltmp4, $1  }
0x1ad: {  	_ =	sdelay $0x3  }
0x1ae: {  	_ =	sfence.sel $0x180000  }
0x1af: {  	[bflag:$0x0] =	sbarrier.arrive $0xFFFF  }
0x1b0: {  	_ =	strace $0x90000047  }
0x1b1: {  	s0 =	stileid.u32;
	[bflag:$0x2] =	sbarrier.arrive $0xFFFF  }
0x1b2: {  	p0 =	sne.s32 s0, $0x0;
	s0 =	rddreg [dreg:$0x2]  }
0x1b3: {  	s0 =	sadd.s32 @!p0 $0x100000, s0  }
0x1b4: {  	[sflag:s0] =	ssyncadd.tile.s32 @!p0 $0x1;
	_ =	shalt  }
.Lfunc_end2:
_tile_overlayer_lowered:
.L_overlay_start_2:
0x1b5: {  	(tag) =	ssettag $0x2  }
0x1b6: {  	s0 =	rddreg [dreg:$0x0];
	s2 =	stileid.u32  }
0x1b7: {  	s1 =	rddreg [dreg:$0x1];
	p0 =	sne.s32 s2, $0x0  }
0x1b8: {  	s3 =	rddreg [dreg:$0x2];
	[bflag:$0x3] =	sbarrier.arrive $0xFFFF;
	s2 =	simm.s32 @!p0 $0x1C05  }
0x1b9: {  	[timem:s3], [sflag:s2] =	dma.local @!p0 [hbm:s0], s1  }
0x1ba: {  	s0 =	simm.s32 @!p0 $0x5  }
0x1bb: {  	_ =	swait.ge @!p0 [sflag:s0], s1  }
0x1bc: {  	s1 =	ssub.s32 @!p0 $0x0, s1;
	[sflag:s0] =	ssyncset.done @!p0 $0x0  }
0x1bd: {  	[sflag:s0] =	ssyncadd.s32 @!p0 s1  }
0x1be: {  	[bflag:$0x3] =	sbarrier.arrive $0xFFFF  }
0x1bf: {  	_ =	shalt  }

</sc_bundles>
